<compile_context>
chip_gen: v7x
topology: tpu7x:2x2x1
jax: 0.10.2.dev20260603
libtpu: 0.0.44.dev20260713+nightly
codegen_flags: <defaults>
</compile_context>

<pallas_src>
import functools

import jax
import jax.numpy as jnp
from jax import lax
from jax.experimental import pallas as pl
from jax.experimental.pallas import tpu as pltpu
from jax.experimental.pallas import tpu_sc as plsc

CHUNK = 128
NBUF = 2
LAG = 2
HBM_CHUNKS = 2


@functools.cache
def _build(n_rows, n_table_rows, dim):
    info = plsc.get_sparse_core_info()
    nc, ns = info.num_cores, info.num_subcores
    nw = nc * ns
    n_chunks = n_rows // (nw * CHUNK)
    assert n_chunks * nw * CHUNK == n_rows
    assert HBM_CHUNKS % NBUF == 0 and LAG <= NBUF <= HBM_CHUNKS
    n_rest = n_chunks - HBM_CHUNKS
    n_main = (n_rest // NBUF) * NBUF

    pre_rows = -(-n_table_rows // (8 * ns)) * 8
    pre_last = n_table_rows - pre_rows
    assert pre_rows % 8 == 0 and pre_last % 8 == 0 and pre_last >= 0

    mesh = plsc.VectorSubcoreMesh(core_axis_name="c", subcore_axis_name="s")

    @functools.partial(
        pl.kernel,
        mesh=mesh,
        out_type=jax.ShapeDtypeStruct((nw, n_chunks, CHUNK, dim), jnp.float32),
        scratch_types=[
            pltpu.VMEM((n_chunks, CHUNK), jnp.int32),
            pltpu.VMEM((NBUF, CHUNK, dim), jnp.float32),
            pltpu.VMEM_SHARED((n_table_rows, dim), jnp.float32),
            pltpu.SemaphoreType.DMA,
        ]
        + [pltpu.SemaphoreType.DMA] * (2 * NBUF),
    )
    def gather_kernel(idx_hbm, table_hbm, out_hbm, idx_v, rows_v, table_sh, psem, *sems):
        gsem, wsem = sems[:NBUF], sems[NBUF:]
        sid = lax.axis_index("s")
        wid = sid * nc + lax.axis_index("c")

        pre_start = pl.multiple_of(jnp.minimum(sid * pre_rows, pre_last), 8)
        pltpu.async_copy(
            table_hbm.at[pl.ds(pre_start, pre_rows)],
            table_sh.at[pl.ds(pre_start, pre_rows)],
            psem,
        )

        pltpu.sync_copy(idx_hbm.at[wid], idx_v)

        def gfire_hbm(c, b):
            pltpu.async_copy(table_hbm.at[idx_v.at[c]], rows_v.at[b], gsem[b])

        def gfire_sp(c, b):
            pltpu.async_copy(table_sh.at[idx_v.at[c]], rows_v.at[b], gsem[b])

        def gwait(b):
            pltpu.make_async_copy(
                table_hbm.at[idx_v.at[0]], rows_v.at[b], gsem[b]
            ).wait()

        def wfire(c, b):
            pltpu.async_copy(rows_v.at[b], out_hbm.at[wid, c], wsem[b])

        def wwait(b):
            pltpu.make_async_copy(rows_v.at[b], out_hbm.at[wid, 0], wsem[b]).wait()

        for b in range(LAG):
            gfire_hbm(b, b)

        def static_step(c, gfire_fn):
            b = c % NBUF
            gwait(b)
            wfire(c, b)
            if c + LAG < n_chunks:
                bn = (b + LAG) % NBUF
                if c + LAG >= NBUF:
                    wwait(bn)
                gfire_fn(c + LAG, bn)

        for c in range(HBM_CHUNKS - LAG):
            static_step(c, gfire_hbm)

        pltpu.make_async_copy(
            table_hbm.at[pl.ds(0, pre_rows)],
            table_sh.at[pl.ds(0, pre_rows)],
            psem,
        ).wait()
        plsc.subcore_barrier()

        for c in range(HBM_CHUNKS - LAG, HBM_CHUNKS):
            static_step(c, gfire_sp)

        def body(j, carry):
            for b in range(NBUF):
                c = HBM_CHUNKS + j * NBUF + b
                gwait(b)
                wfire(c, b)
                bn = (b + LAG) % NBUF

                @pl.when(c + LAG < n_chunks)
                def _():
                    wwait(bn)
                    gfire_sp(c + LAG, bn)

            return carry

        lax.fori_loop(0, n_main // NBUF, body, 0, unroll=2)
        for c in range(HBM_CHUNKS + n_main, n_chunks):
            static_step(c, gfire_sp)
        for b in range(NBUF):
            wwait(b)

    return gather_kernel, nw, n_chunks


def kernel(x, embedding):
    b, h = x.shape
    n_table_rows, dim = embedding.shape
    n_rows = b * h
    gather_kernel, nw, n_chunks = _build(n_rows, n_table_rows, dim)
    idx = x.reshape(nw, n_chunks, CHUNK)
    out = gather_kernel(idx, embedding)
    return out.reshape(b, h, dim)

# --- scband reference (transcript-rebuilt; emitter-appended) ---
"""Pipeline reference for scband-sinusoidal-position-emb-14164802142377 (READ-ONLY COPY).

The authoritative reference and input builder live on the scoring server;
editing this copy changes nothing except your own understanding.
"""

import jax, jax.numpy as jnp
import numpy as np
import math

DIM = 128
MAX_LENGTH = 10000
BATCH = 1024
HIST = 200


def _build_sinusoidal_table(dim, max_length):
    pos = jnp.arange(0, max_length, dtype=jnp.float32)[:, None]
    div_term = jnp.exp(jnp.arange(0, dim, 2, dtype=jnp.float32) * -(math.log(max_length / 2.0 / math.pi) / dim))
    emb = jnp.zeros((max_length, dim), dtype=jnp.float32)
    emb = emb.at[:, 0::2].set(jnp.sin(pos * div_term))
    emb = emb.at[:, 1::2].set(jnp.cos(pos * div_term))
    return emb


def setup_inputs(seed: int = 0) -> dict:
    key = jax.random.key(seed)
    x = jax.random.randint(key, (BATCH, HIST), 0, MAX_LENGTH, dtype=jnp.int32)
    embedding = _build_sinusoidal_table(DIM, MAX_LENGTH)
    return {"x": x, "embedding": embedding}


def reference(x, embedding):
    # embedding[x] : gather rows of the sinusoidal table
    return jnp.take(embedding, x, axis=0)

if __name__ == "__main__":
    import jax
    _d = setup_inputs()
    print(jax.jit(kernel)(*tuple(_d.values())))

</pallas_src>

<mosaic_0001>
#map = affine_map<(d0, d1) -> (0, 0, 0)>
#map1 = affine_map<(d0, d1) -> (0, 0)>
#map2 = affine_map<(d0, d1) -> (0, 0, 0, 0)>
module attributes {stable_mosaic.version = 14 : i64} {
  func.func @gather_kernel(%arg0: i32, %arg1: i32, %arg2: memref<32x50x128xi32, #tpu.memory_space<hbm>>, %arg3: memref<10000x128xf32, #tpu.memory_space<hbm>>, %arg4: memref<32x50x128x128xf32, #tpu.memory_space<hbm>>, %arg5: memref<50x128xi32, #tpu.memory_space<vmem>>, %arg6: memref<2x128x128xf32, #tpu.memory_space<vmem>>, %arg7: memref<10000x128xf32, #tpu.memory_space<vmem_shared>>, %arg8: memref<!tpu.dma_semaphore, #tpu.memory_space<semaphore_mem>>, %arg9: memref<!tpu.dma_semaphore, #tpu.memory_space<semaphore_mem>>, %arg10: memref<!tpu.dma_semaphore, #tpu.memory_space<semaphore_mem>>, %arg11: memref<!tpu.dma_semaphore, #tpu.memory_space<semaphore_mem>>, %arg12: memref<!tpu.dma_semaphore, #tpu.memory_space<semaphore_mem>>) attributes {dimension_semantics = [#tpu.dimension_semantics<core_parallel>, #tpu.dimension_semantics<subcore_parallel>], iteration_bounds = array<i64: 2, 16>, scalar_prefetch = 0 : i64, scratch_operands = 8 : i64, tpu.core_type = #tpu.core_type<sc_vector_subcore>, window_params = [{transform_indices = #map}, {transform_indices = #map1}, {transform_indices = #map2}]} {
    %mul3A = arith.constant 2 : i32
    %mul3A_0 = arith.muli %arg1, %mul3A : i32
    %add3A = arith.addi %mul3A_0, %arg0 : i32
    %mul3A_1 = arith.constant 632 : i32
    %mul3A_2 = arith.muli %arg1, %mul3A_1 : i32
    %min3A = arith.constant 9368 : i32
    %min3A_3 = arith.minsi %mul3A_2, %min3A : i32
    %multiple_of3A = tpu.assume_multiple %min3A_3, 8 : i32
    %dma_start3A = arith.constant 0 : i32
    %dma_start3A_4 = tpu.memref_slice %arg7[%multiple_of3A, %dma_start3A] : memref<10000x128xf32, #tpu.memory_space<vmem_shared>> -> memref<632x128xf32, #tpu.memory_space<vmem_shared>>
    %dma_start3A_5 = arith.constant 0 : i32
    %dma_start3A_6 = tpu.memref_slice %arg3[%multiple_of3A, %dma_start3A_5] : memref<10000x128xf32, #tpu.memory_space<hbm>> -> memref<632x128xf32, #tpu.memory_space<hbm>>
    tpu.enqueue_dma source(%dma_start3A_6 : memref<632x128xf32, #tpu.memory_space<hbm>>) target(%dma_start3A_4 : memref<632x128xf32, #tpu.memory_space<vmem_shared>>) target_semaphore(%arg8 : memref<!tpu.dma_semaphore, #tpu.memory_space<semaphore_mem>>)
    "tpu.region"() ({
      %run_scoped3A = tpu.sem_alloc : memref<!tpu.dma_semaphore, #tpu.memory_space<semaphore_mem>>
      %dma_start3A_197 = arith.constant 0 : i32
      %dma_start3A_198 = arith.constant 0 : i32
      %dma_start3A_199 = tpu.memref_slice %arg2[%add3A, %dma_start3A_197, %dma_start3A_198] : memref<32x50x128xi32, #tpu.memory_space<hbm>> -> memref<1x50x128xi32, #tpu.memory_space<hbm>>
      %dma_start3A_200 = tpu.memref_squeeze %dma_start3A_199 : memref<1x50x128xi32, #tpu.memory_space<hbm>> -> memref<50x128xi32, #tpu.memory_space<hbm>>
      %dma_start3A_201 = arith.constant 0 : i32
      %dma_start3A_202 = arith.constant 0 : i32
      %dma_start3A_203 = tpu.memref_slice %arg2[%add3A, %dma_start3A_201, %dma_start3A_202] : memref<32x50x128xi32, #tpu.memory_space<hbm>> -> memref<1x50x128xi32, #tpu.memory_space<hbm>>
      %dma_start3A_204 = tpu.memref_squeeze %dma_start3A_203 : memref<1x50x128xi32, #tpu.memory_space<hbm>> -> memref<50x128xi32, #tpu.memory_space<hbm>>
      tpu.enqueue_dma source(%dma_start3A_204 : memref<50x128xi32, #tpu.memory_space<hbm>>) target(%arg5 : memref<50x128xi32, #tpu.memory_space<vmem>>) target_semaphore(%run_scoped3A : memref<!tpu.dma_semaphore, #tpu.memory_space<semaphore_mem>>)
      %dma_wait3A_205 = arith.constant 0 : i32
      %dma_wait3A_206 = arith.constant 0 : i32
      %dma_wait3A_207 = tpu.memref_slice %arg2[%add3A, %dma_wait3A_205, %dma_wait3A_206] : memref<32x50x128xi32, #tpu.memory_space<hbm>> -> memref<1x50x128xi32, #tpu.memory_space<hbm>>
      %dma_wait3A_208 = tpu.memref_squeeze %dma_wait3A_207 : memref<1x50x128xi32, #tpu.memory_space<hbm>> -> memref<50x128xi32, #tpu.memory_space<hbm>>
      %dma_wait3A_209 = arith.constant 0 : i32
      %dma_wait3A_210 = arith.constant 0 : i32
      %dma_wait3A_211 = tpu.memref_slice %arg2[%add3A, %dma_wait3A_209, %dma_wait3A_210] : memref<32x50x128xi32, #tpu.memory_space<hbm>> -> memref<1x50x128xi32, #tpu.memory_space<hbm>>
      %dma_wait3A_212 = tpu.memref_squeeze %dma_wait3A_211 : memref<1x50x128xi32, #tpu.memory_space<hbm>> -> memref<50x128xi32, #tpu.memory_space<hbm>>
      tpu.wait_dma2 semaphore(%run_scoped3A : memref<!tpu.dma_semaphore, #tpu.memory_space<semaphore_mem>>) src(%dma_wait3A_212 : memref<50x128xi32, #tpu.memory_space<hbm>>) dst(%arg5 : memref<50x128xi32, #tpu.memory_space<vmem>>)
      tpu.yield
    }) : () -> ()
    %dma_start3A_7 = arith.constant 0 : i32
    %dma_start3A_8 = arith.constant 0 : i32
    %dma_start3A_9 = arith.constant 0 : i32
    %dma_start3A_10 = arith.constant 0 : i32
    %dma_start3A_11 = tpu.memref_slice %arg6[%dma_start3A_8, %dma_start3A_9, %dma_start3A_10] : memref<2x128x128xf32, #tpu.memory_space<vmem>> -> memref<1x128x128xf32, #tpu.memory_space<vmem>>
    %dma_start3A_12 = tpu.memref_squeeze %dma_start3A_11 : memref<1x128x128xf32, #tpu.memory_space<vmem>> -> memref<128x128xf32, #tpu.memory_space<vmem>>
    %dma_start3A_13 = arith.constant 0 : i32
    %dma_start3A_14 = tpu.memref_slice %arg5[%dma_start3A_7, %dma_start3A_13] : memref<50x128xi32, #tpu.memory_space<vmem>> -> memref<1x128xi32, #tpu.memory_space<vmem>>
    %dma_start3A_15 = tpu.memref_squeeze %dma_start3A_14 : memref<1x128xi32, #tpu.memory_space<vmem>> -> memref<128xi32, #tpu.memory_space<vmem>>
    %dma_start3A_16 = arith.constant 0 : i32
    %dma_start3A_17 = arith.constant 0 : i32
    %dma_start3A_18 = tpu.memref_slice %arg3[%dma_start3A_16, %dma_start3A_17] : memref<10000x128xf32, #tpu.memory_space<hbm>> -> memref<10000x128xf32, #tpu.memory_space<hbm>>
    tpu.enqueue_indirect_dma source(%dma_start3A_18 : memref<10000x128xf32, #tpu.memory_space<hbm>>) target(%dma_start3A_12 : memref<128x128xf32, #tpu.memory_space<vmem>>) offsets(%dma_start3A_15 : memref<128xi32, #tpu.memory_space<vmem>>) semaphore(%arg9 : memref<!tpu.dma_semaphore, #tpu.memory_space<semaphore_mem>>)
    %dma_start3A_19 = arith.constant 1 : i32
    %dma_start3A_20 = arith.constant 1 : i32
    %dma_start3A_21 = arith.constant 0 : i32
    %dma_start3A_22 = arith.constant 0 : i32
    %dma_start3A_23 = tpu.memref_slice %arg6[%dma_start3A_20, %dma_start3A_21, %dma_start3A_22] : memref<2x128x128xf32, #tpu.memory_space<vmem>> -> memref<1x128x128xf32, #tpu.memory_space<vmem>>
    %dma_start3A_24 = tpu.memref_squeeze %dma_start3A_23 : memref<1x128x128xf32, #tpu.memory_space<vmem>> -> memref<128x128xf32, #tpu.memory_space<vmem>>
    %dma_start3A_25 = arith.constant 0 : i32
    %dma_start3A_26 = tpu.memref_slice %arg5[%dma_start3A_19, %dma_start3A_25] : memref<50x128xi32, #tpu.memory_space<vmem>> -> memref<1x128xi32, #tpu.memory_space<vmem>>
    %dma_start3A_27 = tpu.memref_squeeze %dma_start3A_26 : memref<1x128xi32, #tpu.memory_space<vmem>> -> memref<128xi32, #tpu.memory_space<vmem>>
    %dma_start3A_28 = arith.constant 0 : i32
    %dma_start3A_29 = arith.constant 0 : i32
    %dma_start3A_30 = tpu.memref_slice %arg3[%dma_start3A_28, %dma_start3A_29] : memref<10000x128xf32, #tpu.memory_space<hbm>> -> memref<10000x128xf32, #tpu.memory_space<hbm>>
    tpu.enqueue_indirect_dma source(%dma_start3A_30 : memref<10000x128xf32, #tpu.memory_space<hbm>>) target(%dma_start3A_24 : memref<128x128xf32, #tpu.memory_space<vmem>>) offsets(%dma_start3A_27 : memref<128xi32, #tpu.memory_space<vmem>>) semaphore(%arg10 : memref<!tpu.dma_semaphore, #tpu.memory_space<semaphore_mem>>)
    %dma_wait3A = arith.constant 0 : i32
    %dma_wait3A_31 = arith.constant 0 : i32
    %dma_wait3A_32 = tpu.memref_slice %arg7[%dma_wait3A, %dma_wait3A_31] : memref<10000x128xf32, #tpu.memory_space<vmem_shared>> -> memref<632x128xf32, #tpu.memory_space<vmem_shared>>
    %dma_wait3A_33 = arith.constant 0 : i32
    %dma_wait3A_34 = arith.constant 0 : i32
    %dma_wait3A_35 = tpu.memref_slice %arg3[%dma_wait3A_33, %dma_wait3A_34] : memref<10000x128xf32, #tpu.memory_space<hbm>> -> memref<632x128xf32, #tpu.memory_space<hbm>>
    tpu.wait_dma2 semaphore(%arg8 : memref<!tpu.dma_semaphore, #tpu.memory_space<semaphore_mem>>) src(%dma_wait3A_35 : memref<632x128xf32, #tpu.memory_space<hbm>>) dst(%dma_wait3A_32 : memref<632x128xf32, #tpu.memory_space<vmem_shared>>)
    %barrier3A = arith.constant 0 : index
    tpu.barrier barrier_id(%barrier3A)
    %dma_wait3A_36 = arith.constant 0 : i32
    %dma_wait3A_37 = arith.constant 0 : i32
    %dma_wait3A_38 = arith.constant 0 : i32
    %dma_wait3A_39 = arith.constant 0 : i32
    %dma_wait3A_40 = tpu.memref_slice %arg6[%dma_wait3A_37, %dma_wait3A_38, %dma_wait3A_39] : memref<2x128x128xf32, #tpu.memory_space<vmem>> -> memref<1x128x128xf32, #tpu.memory_space<vmem>>
    %dma_wait3A_41 = tpu.memref_squeeze %dma_wait3A_40 : memref<1x128x128xf32, #tpu.memory_space<vmem>> -> memref<128x128xf32, #tpu.memory_space<vmem>>
    %dma_wait3A_42 = arith.constant 0 : i32
    %dma_wait3A_43 = tpu.memref_slice %arg5[%dma_wait3A_36, %dma_wait3A_42] : memref<50x128xi32, #tpu.memory_space<vmem>> -> memref<1x128xi32, #tpu.memory_space<vmem>>
    %dma_wait3A_44 = tpu.memref_squeeze %dma_wait3A_43 : memref<1x128xi32, #tpu.memory_space<vmem>> -> memref<128xi32, #tpu.memory_space<vmem>>
    %dma_wait3A_45 = arith.constant 0 : i32
    %dma_wait3A_46 = arith.constant 0 : i32
    %dma_wait3A_47 = tpu.memref_slice %arg3[%dma_wait3A_45, %dma_wait3A_46] : memref<10000x128xf32, #tpu.memory_space<hbm>> -> memref<10000x128xf32, #tpu.memory_space<hbm>>
    tpu.wait_indirect_dma semaphore(%arg9 : memref<!tpu.dma_semaphore, #tpu.memory_space<semaphore_mem>>) src(%dma_wait3A_47 : memref<10000x128xf32, #tpu.memory_space<hbm>>) dst(%dma_wait3A_41 : memref<128x128xf32, #tpu.memory_space<vmem>>)
    %dma_start3A_48 = arith.constant 0 : i32
    %dma_start3A_49 = arith.constant 0 : i32
    %dma_start3A_50 = arith.constant 0 : i32
    %dma_start3A_51 = arith.constant 0 : i32
    %dma_start3A_52 = tpu.memref_slice %arg6[%dma_start3A_48, %dma_start3A_50, %dma_start3A_51] : memref<2x128x128xf32, #tpu.memory_space<vmem>> -> memref<1x128x128xf32, #tpu.memory_space<vmem>>
    %dma_start3A_53 = tpu.memref_squeeze %dma_start3A_52 : memref<1x128x128xf32, #tpu.memory_space<vmem>> -> memref<128x128xf32, #tpu.memory_space<vmem>>
    %dma_start3A_54 = arith.constant 0 : i32
    %dma_start3A_55 = arith.constant 0 : i32
    %dma_start3A_56 = tpu.memref_slice %arg4[%add3A, %dma_start3A_49, %dma_start3A_54, %dma_start3A_55] : memref<32x50x128x128xf32, #tpu.memory_space<hbm>> -> memref<1x1x128x128xf32, #tpu.memory_space<hbm>>
    %dma_start3A_57 = tpu.memref_squeeze %dma_start3A_56 : memref<1x1x128x128xf32, #tpu.memory_space<hbm>> -> memref<128x128xf32, #tpu.memory_space<hbm>>
    %dma_start3A_58 = arith.constant 0 : i32
    %dma_start3A_59 = arith.constant 0 : i32
    %dma_start3A_60 = tpu.memref_slice %arg4[%add3A, %dma_start3A_49, %dma_start3A_58, %dma_start3A_59] : memref<32x50x128x128xf32, #tpu.memory_space<hbm>> -> memref<1x1x128x128xf32, #tpu.memory_space<hbm>>
    %dma_start3A_61 = tpu.memref_squeeze %dma_start3A_60 : memref<1x1x128x128xf32, #tpu.memory_space<hbm>> -> memref<128x128xf32, #tpu.memory_space<hbm>>
    %dma_start3A_62 = arith.constant 0 : i32
    %dma_start3A_63 = arith.constant 0 : i32
    %dma_start3A_64 = tpu.memref_slice %arg6[%dma_start3A_48, %dma_start3A_62, %dma_start3A_63] : memref<2x128x128xf32, #tpu.memory_space<vmem>> -> memref<1x128x128xf32, #tpu.memory_space<vmem>>
    %dma_start3A_65 = tpu.memref_squeeze %dma_start3A_64 : memref<1x128x128xf32, #tpu.memory_space<vmem>> -> memref<128x128xf32, #tpu.memory_space<vmem>>
    tpu.enqueue_dma source(%dma_start3A_65 : memref<128x128xf32, #tpu.memory_space<vmem>>) target(%dma_start3A_61 : memref<128x128xf32, #tpu.memory_space<hbm>>) target_semaphore(%arg11 : memref<!tpu.dma_semaphore, #tpu.memory_space<semaphore_mem>>)
    %dma_wait3A_66 = arith.constant 0 : i32
    %dma_wait3A_67 = arith.constant 0 : i32
    %dma_wait3A_68 = arith.constant 0 : i32
    %dma_wait3A_69 = arith.constant 0 : i32
    %dma_wait3A_70 = tpu.memref_slice %arg6[%dma_wait3A_66, %dma_wait3A_68, %dma_wait3A_69] : memref<2x128x128xf32, #tpu.memory_space<vmem>> -> memref<1x128x128xf32, #tpu.memory_space<vmem>>
    %dma_wait3A_71 = tpu.memref_squeeze %dma_wait3A_70 : memref<1x128x128xf32, #tpu.memory_space<vmem>> -> memref<128x128xf32, #tpu.memory_space<vmem>>
    %dma_wait3A_72 = arith.constant 0 : i32
    %dma_wait3A_73 = arith.constant 0 : i32
    %dma_wait3A_74 = tpu.memref_slice %arg4[%add3A, %dma_wait3A_67, %dma_wait3A_72, %dma_wait3A_73] : memref<32x50x128x128xf32, #tpu.memory_space<hbm>> -> memref<1x1x128x128xf32, #tpu.memory_space<hbm>>
    %dma_wait3A_75 = tpu.memref_squeeze %dma_wait3A_74 : memref<1x1x128x128xf32, #tpu.memory_space<hbm>> -> memref<128x128xf32, #tpu.memory_space<hbm>>
    %dma_wait3A_76 = arith.constant 0 : i32
    %dma_wait3A_77 = arith.constant 0 : i32
    %dma_wait3A_78 = tpu.memref_slice %arg4[%add3A, %dma_wait3A_67, %dma_wait3A_76, %dma_wait3A_77] : memref<32x50x128x128xf32, #tpu.memory_space<hbm>> -> memref<1x1x128x128xf32, #tpu.memory_space<hbm>>
    %dma_wait3A_79 = tpu.memref_squeeze %dma_wait3A_78 : memref<1x1x128x128xf32, #tpu.memory_space<hbm>> -> memref<128x128xf32, #tpu.memory_space<hbm>>
    %dma_wait3A_80 = arith.constant 0 : i32
    %dma_wait3A_81 = arith.constant 0 : i32
    %dma_wait3A_82 = tpu.memref_slice %arg6[%dma_wait3A_66, %dma_wait3A_80, %dma_wait3A_81] : memref<2x128x128xf32, #tpu.memory_space<vmem>> -> memref<1x128x128xf32, #tpu.memory_space<vmem>>
    %dma_wait3A_83 = tpu.memref_squeeze %dma_wait3A_82 : memref<1x128x128xf32, #tpu.memory_space<vmem>> -> memref<128x128xf32, #tpu.memory_space<vmem>>
    tpu.wait_dma2 semaphore(%arg11 : memref<!tpu.dma_semaphore, #tpu.memory_space<semaphore_mem>>) src(%dma_wait3A_83 : memref<128x128xf32, #tpu.memory_space<vmem>>) dst(%dma_wait3A_79 : memref<128x128xf32, #tpu.memory_space<hbm>>)
    %dma_start3A_84 = arith.constant 2 : i32
    %dma_start3A_85 = arith.constant 0 : i32
    %dma_start3A_86 = arith.constant 0 : i32
    %dma_start3A_87 = arith.constant 0 : i32
    %dma_start3A_88 = tpu.memref_slice %arg6[%dma_start3A_85, %dma_start3A_86, %dma_start3A_87] : memref<2x128x128xf32, #tpu.memory_space<vmem>> -> memref<1x128x128xf32, #tpu.memory_space<vmem>>
    %dma_start3A_89 = tpu.memref_squeeze %dma_start3A_88 : memref<1x128x128xf32, #tpu.memory_space<vmem>> -> memref<128x128xf32, #tpu.memory_space<vmem>>
    %dma_start3A_90 = arith.constant 0 : i32
    %dma_start3A_91 = tpu.memref_slice %arg5[%dma_start3A_84, %dma_start3A_90] : memref<50x128xi32, #tpu.memory_space<vmem>> -> memref<1x128xi32, #tpu.memory_space<vmem>>
    %dma_start3A_92 = tpu.memref_squeeze %dma_start3A_91 : memref<1x128xi32, #tpu.memory_space<vmem>> -> memref<128xi32, #tpu.memory_space<vmem>>
    %dma_start3A_93 = arith.constant 0 : i32
    %dma_start3A_94 = arith.constant 0 : i32
    %dma_start3A_95 = tpu.memref_slice %arg7[%dma_start3A_93, %dma_start3A_94] : memref<10000x128xf32, #tpu.memory_space<vmem_shared>> -> memref<10000x128xf32, #tpu.memory_space<vmem_shared>>
    tpu.enqueue_indirect_dma source(%dma_start3A_95 : memref<10000x128xf32, #tpu.memory_space<vmem_shared>>) target(%dma_start3A_89 : memref<128x128xf32, #tpu.memory_space<vmem>>) offsets(%dma_start3A_92 : memref<128xi32, #tpu.memory_space<vmem>>) semaphore(%arg9 : memref<!tpu.dma_semaphore, #tpu.memory_space<semaphore_mem>>)
    %dma_wait3A_96 = arith.constant 0 : i32
    %dma_wait3A_97 = arith.constant 1 : i32
    %dma_wait3A_98 = arith.constant 0 : i32
    %dma_wait3A_99 = arith.constant 0 : i32
    %dma_wait3A_100 = tpu.memref_slice %arg6[%dma_wait3A_97, %dma_wait3A_98, %dma_wait3A_99] : memref<2x128x128xf32, #tpu.memory_space<vmem>> -> memref<1x128x128xf32, #tpu.memory_space<vmem>>
    %dma_wait3A_101 = tpu.memref_squeeze %dma_wait3A_100 : memref<1x128x128xf32, #tpu.memory_space<vmem>> -> memref<128x128xf32, #tpu.memory_space<vmem>>
    %dma_wait3A_102 = arith.constant 0 : i32
    %dma_wait3A_103 = tpu.memref_slice %arg5[%dma_wait3A_96, %dma_wait3A_102] : memref<50x128xi32, #tpu.memory_space<vmem>> -> memref<1x128xi32, #tpu.memory_space<vmem>>
    %dma_wait3A_104 = tpu.memref_squeeze %dma_wait3A_103 : memref<1x128xi32, #tpu.memory_space<vmem>> -> memref<128xi32, #tpu.memory_space<vmem>>
    %dma_wait3A_105 = arith.constant 0 : i32
    %dma_wait3A_106 = arith.constant 0 : i32
    %dma_wait3A_107 = tpu.memref_slice %arg3[%dma_wait3A_105, %dma_wait3A_106] : memref<10000x128xf32, #tpu.memory_space<hbm>> -> memref<10000x128xf32, #tpu.memory_space<hbm>>
    tpu.wait_indirect_dma semaphore(%arg10 : memref<!tpu.dma_semaphore, #tpu.memory_space<semaphore_mem>>) src(%dma_wait3A_107 : memref<10000x128xf32, #tpu.memory_space<hbm>>) dst(%dma_wait3A_101 : memref<128x128xf32, #tpu.memory_space<vmem>>)
    %dma_start3A_108 = arith.constant 1 : i32
    %dma_start3A_109 = arith.constant 1 : i32
    %dma_start3A_110 = arith.constant 0 : i32
    %dma_start3A_111 = arith.constant 0 : i32
    %dma_start3A_112 = tpu.memref_slice %arg6[%dma_start3A_108, %dma_start3A_110, %dma_start3A_111] : memref<2x128x128xf32, #tpu.memory_space<vmem>> -> memref<1x128x128xf32, #tpu.memory_space<vmem>>
    %dma_start3A_113 = tpu.memref_squeeze %dma_start3A_112 : memref<1x128x128xf32, #tpu.memory_space<vmem>> -> memref<128x128xf32, #tpu.memory_space<vmem>>
    %dma_start3A_114 = arith.constant 0 : i32
    %dma_start3A_115 = arith.constant 0 : i32
    %dma_start3A_116 = tpu.memref_slice %arg4[%add3A, %dma_start3A_109, %dma_start3A_114, %dma_start3A_115] : memref<32x50x128x128xf32, #tpu.memory_space<hbm>> -> memref<1x1x128x128xf32, #tpu.memory_space<hbm>>
    %dma_start3A_117 = tpu.memref_squeeze %dma_start3A_116 : memref<1x1x128x128xf32, #tpu.memory_space<hbm>> -> memref<128x128xf32, #tpu.memory_space<hbm>>
    %dma_start3A_118 = arith.constant 0 : i32
    %dma_start3A_119 = arith.constant 0 : i32
    %dma_start3A_120 = tpu.memref_slice %arg4[%add3A, %dma_start3A_109, %dma_start3A_118, %dma_start3A_119] : memref<32x50x128x128xf32, #tpu.memory_space<hbm>> -> memref<1x1x128x128xf32, #tpu.memory_space<hbm>>
    %dma_start3A_121 = tpu.memref_squeeze %dma_start3A_120 : memref<1x1x128x128xf32, #tpu.memory_space<hbm>> -> memref<128x128xf32, #tpu.memory_space<hbm>>
    %dma_start3A_122 = arith.constant 0 : i32
    %dma_start3A_123 = arith.constant 0 : i32
    %dma_start3A_124 = tpu.memref_slice %arg6[%dma_start3A_108, %dma_start3A_122, %dma_start3A_123] : memref<2x128x128xf32, #tpu.memory_space<vmem>> -> memref<1x128x128xf32, #tpu.memory_space<vmem>>
    %dma_start3A_125 = tpu.memref_squeeze %dma_start3A_124 : memref<1x128x128xf32, #tpu.memory_space<vmem>> -> memref<128x128xf32, #tpu.memory_space<vmem>>
    tpu.enqueue_dma source(%dma_start3A_125 : memref<128x128xf32, #tpu.memory_space<vmem>>) target(%dma_start3A_121 : memref<128x128xf32, #tpu.memory_space<hbm>>) target_semaphore(%arg12 : memref<!tpu.dma_semaphore, #tpu.memory_space<semaphore_mem>>)
    %dma_wait3A_126 = arith.constant 1 : i32
    %dma_wait3A_127 = arith.constant 0 : i32
    %dma_wait3A_128 = arith.constant 0 : i32
    %dma_wait3A_129 = arith.constant 0 : i32
    %dma_wait3A_130 = tpu.memref_slice %arg6[%dma_wait3A_126, %dma_wait3A_128, %dma_wait3A_129] : memref<2x128x128xf32, #tpu.memory_space<vmem>> -> memref<1x128x128xf32, #tpu.memory_space<vmem>>
    %dma_wait3A_131 = tpu.memref_squeeze %dma_wait3A_130 : memref<1x128x128xf32, #tpu.memory_space<vmem>> -> memref<128x128xf32, #tpu.memory_space<vmem>>
    %dma_wait3A_132 = arith.constant 0 : i32
    %dma_wait3A_133 = arith.constant 0 : i32
    %dma_wait3A_134 = tpu.memref_slice %arg4[%add3A, %dma_wait3A_127, %dma_wait3A_132, %dma_wait3A_133] : memref<32x50x128x128xf32, #tpu.memory_space<hbm>> -> memref<1x1x128x128xf32, #tpu.memory_space<hbm>>
    %dma_wait3A_135 = tpu.memref_squeeze %dma_wait3A_134 : memref<1x1x128x128xf32, #tpu.memory_space<hbm>> -> memref<128x128xf32, #tpu.memory_space<hbm>>
    %dma_wait3A_136 = arith.constant 0 : i32
    %dma_wait3A_137 = arith.constant 0 : i32
    %dma_wait3A_138 = tpu.memref_slice %arg4[%add3A, %dma_wait3A_127, %dma_wait3A_136, %dma_wait3A_137] : memref<32x50x128x128xf32, #tpu.memory_space<hbm>> -> memref<1x1x128x128xf32, #tpu.memory_space<hbm>>
    %dma_wait3A_139 = tpu.memref_squeeze %dma_wait3A_138 : memref<1x1x128x128xf32, #tpu.memory_space<hbm>> -> memref<128x128xf32, #tpu.memory_space<hbm>>
    %dma_wait3A_140 = arith.constant 0 : i32
    %dma_wait3A_141 = arith.constant 0 : i32
    %dma_wait3A_142 = tpu.memref_slice %arg6[%dma_wait3A_126, %dma_wait3A_140, %dma_wait3A_141] : memref<2x128x128xf32, #tpu.memory_space<vmem>> -> memref<1x128x128xf32, #tpu.memory_space<vmem>>
    %dma_wait3A_143 = tpu.memref_squeeze %dma_wait3A_142 : memref<1x128x128xf32, #tpu.memory_space<vmem>> -> memref<128x128xf32, #tpu.memory_space<vmem>>
    tpu.wait_dma2 semaphore(%arg12 : memref<!tpu.dma_semaphore, #tpu.memory_space<semaphore_mem>>) src(%dma_wait3A_143 : memref<128x128xf32, #tpu.memory_space<vmem>>) dst(%dma_wait3A_139 : memref<128x128xf32, #tpu.memory_space<hbm>>)
    %dma_start3A_144 = arith.constant 3 : i32
    %dma_start3A_145 = arith.constant 1 : i32
    %dma_start3A_146 = arith.constant 0 : i32
    %dma_start3A_147 = arith.constant 0 : i32
    %dma_start3A_148 = tpu.memref_slice %arg6[%dma_start3A_145, %dma_start3A_146, %dma_start3A_147] : memref<2x128x128xf32, #tpu.memory_space<vmem>> -> memref<1x128x128xf32, #tpu.memory_space<vmem>>
    %dma_start3A_149 = tpu.memref_squeeze %dma_start3A_148 : memref<1x128x128xf32, #tpu.memory_space<vmem>> -> memref<128x128xf32, #tpu.memory_space<vmem>>
    %dma_start3A_150 = arith.constant 0 : i32
    %dma_start3A_151 = tpu.memref_slice %arg5[%dma_start3A_144, %dma_start3A_150] : memref<50x128xi32, #tpu.memory_space<vmem>> -> memref<1x128xi32, #tpu.memory_space<vmem>>
    %dma_start3A_152 = tpu.memref_squeeze %dma_start3A_151 : memref<1x128xi32, #tpu.memory_space<vmem>> -> memref<128xi32, #tpu.memory_space<vmem>>
    %dma_start3A_153 = arith.constant 0 : i32
    %dma_start3A_154 = arith.constant 0 : i32
    %dma_start3A_155 = tpu.memref_slice %arg7[%dma_start3A_153, %dma_start3A_154] : memref<10000x128xf32, #tpu.memory_space<vmem_shared>> -> memref<10000x128xf32, #tpu.memory_space<vmem_shared>>
    tpu.enqueue_indirect_dma source(%dma_start3A_155 : memref<10000x128xf32, #tpu.memory_space<vmem_shared>>) target(%dma_start3A_149 : memref<128x128xf32, #tpu.memory_space<vmem>>) offsets(%dma_start3A_152 : memref<128xi32, #tpu.memory_space<vmem>>) semaphore(%arg10 : memref<!tpu.dma_semaphore, #tpu.memory_space<semaphore_mem>>)
    %scan3A = arith.constant 0 : i32
    %scan3A_156 = arith.constant 0 : i32
    %scan3A_157 = arith.constant 24 : i32
    %scan3A_158 = arith.addi %scan3A_156, %scan3A_157 : i32
    %scan3A_159 = arith.constant 2 : i32
    scf.for %scan3A_197 = %scan3A_156 to %scan3A_158 step %scan3A_159  : i32 {
      %mul3A_198 = arith.constant 2 : i32
      %mul3A_199 = arith.muli %scan3A_197, %mul3A_198 : i32
      %add3A_200 = arith.constant 2 : i32
      %add3A_201 = arith.addi %add3A_200, %mul3A_199 : i32
      %add3A_202 = arith.constant 0 : i32
      %add3A_203 = arith.addi %add3A_201, %add3A_202 : i32
      %dma_wait3A_204 = arith.constant 0 : i32
      %dma_wait3A_205 = arith.constant 0 : i32
      %dma_wait3A_206 = arith.constant 0 : i32
      %dma_wait3A_207 = arith.constant 0 : i32
      %dma_wait3A_208 = tpu.memref_slice %arg6[%dma_wait3A_205, %dma_wait3A_206, %dma_wait3A_207] : memref<2x128x128xf32, #tpu.memory_space<vmem>> -> memref<1x128x128xf32, #tpu.memory_space<vmem>>
      %dma_wait3A_209 = tpu.memref_squeeze %dma_wait3A_208 : memref<1x128x128xf32, #tpu.memory_space<vmem>> -> memref<128x128xf32, #tpu.memory_space<vmem>>
      %dma_wait3A_210 = arith.constant 0 : i32
      %dma_wait3A_211 = tpu.memref_slice %arg5[%dma_wait3A_204, %dma_wait3A_210] : memref<50x128xi32, #tpu.memory_space<vmem>> -> memref<1x128xi32, #tpu.memory_space<vmem>>
      %dma_wait3A_212 = tpu.memref_squeeze %dma_wait3A_211 : memref<1x128xi32, #tpu.memory_space<vmem>> -> memref<128xi32, #tpu.memory_space<vmem>>
      %dma_wait3A_213 = arith.constant 0 : i32
      %dma_wait3A_214 = arith.constant 0 : i32
      %dma_wait3A_215 = tpu.memref_slice %arg3[%dma_wait3A_213, %dma_wait3A_214] : memref<10000x128xf32, #tpu.memory_space<hbm>> -> memref<10000x128xf32, #tpu.memory_space<hbm>>
      tpu.wait_indirect_dma semaphore(%arg9 : memref<!tpu.dma_semaphore, #tpu.memory_space<semaphore_mem>>) src(%dma_wait3A_215 : memref<10000x128xf32, #tpu.memory_space<hbm>>) dst(%dma_wait3A_209 : memref<128x128xf32, #tpu.memory_space<vmem>>)
      %dma_start3A_216 = arith.constant 0 : i32
      %dma_start3A_217 = arith.constant 0 : i32
      %dma_start3A_218 = arith.constant 0 : i32
      %dma_start3A_219 = tpu.memref_slice %arg6[%dma_start3A_216, %dma_start3A_217, %dma_start3A_218] : memref<2x128x128xf32, #tpu.memory_space<vmem>> -> memref<1x128x128xf32, #tpu.memory_space<vmem>>
      %dma_start3A_220 = tpu.memref_squeeze %dma_start3A_219 : memref<1x128x128xf32, #tpu.memory_space<vmem>> -> memref<128x128xf32, #tpu.memory_space<vmem>>
      %dma_start3A_221 = arith.constant 0 : i32
      %dma_start3A_222 = arith.constant 0 : i32
      %dma_start3A_223 = tpu.memref_slice %arg4[%add3A, %add3A_203, %dma_start3A_221, %dma_start3A_222] : memref<32x50x128x128xf32, #tpu.memory_space<hbm>> -> memref<1x1x128x128xf32, #tpu.memory_space<hbm>>
      %dma_start3A_224 = tpu.memref_squeeze %dma_start3A_223 : memref<1x1x128x128xf32, #tpu.memory_space<hbm>> -> memref<128x128xf32, #tpu.memory_space<hbm>>
      %dma_start3A_225 = arith.constant 0 : i32
      %dma_start3A_226 = arith.constant 0 : i32
      %dma_start3A_227 = tpu.memref_slice %arg4[%add3A, %add3A_203, %dma_start3A_225, %dma_start3A_226] : memref<32x50x128x128xf32, #tpu.memory_space<hbm>> -> memref<1x1x128x128xf32, #tpu.memory_space<hbm>>
      %dma_start3A_228 = tpu.memref_squeeze %dma_start3A_227 : memref<1x1x128x128xf32, #tpu.memory_space<hbm>> -> memref<128x128xf32, #tpu.memory_space<hbm>>
      %dma_start3A_229 = arith.constant 0 : i32
      %dma_start3A_230 = arith.constant 0 : i32
      %dma_start3A_231 = tpu.memref_slice %arg6[%dma_start3A_216, %dma_start3A_229, %dma_start3A_230] : memref<2x128x128xf32, #tpu.memory_space<vmem>> -> memref<1x128x128xf32, #tpu.memory_space<vmem>>
      %dma_start3A_232 = tpu.memref_squeeze %dma_start3A_231 : memref<1x128x128xf32, #tpu.memory_space<vmem>> -> memref<128x128xf32, #tpu.memory_space<vmem>>
      tpu.enqueue_dma source(%dma_start3A_232 : memref<128x128xf32, #tpu.memory_space<vmem>>) target(%dma_start3A_228 : memref<128x128xf32, #tpu.memory_space<hbm>>) target_semaphore(%arg11 : memref<!tpu.dma_semaphore, #tpu.memory_space<semaphore_mem>>)
      %add3A_233 = arith.constant 2 : i32
      %add3A_234 = arith.addi %add3A_203, %add3A_233 : i32
      %lt3A = arith.constant 50 : i32
      %lt3A_235 = arith.cmpi slt, %add3A_234, %lt3A : i32
      %convert_element_type3A = arith.extui %lt3A_235 : i1 to i32
      %cond3A = arith.constant 0 : i32
      %cond3A_236 = arith.cmpi ne, %convert_element_type3A, %cond3A : i32
      scf.if %cond3A_236 {
        %dma_wait3A_365 = arith.constant 0 : i32
        %dma_wait3A_366 = arith.constant 0 : i32
        %dma_wait3A_367 = arith.constant 0 : i32
        %dma_wait3A_368 = arith.constant 0 : i32
        %dma_wait3A_369 = tpu.memref_slice %arg6[%dma_wait3A_365, %dma_wait3A_367, %dma_wait3A_368] : memref<2x128x128xf32, #tpu.memory_space<vmem>> -> memref<1x128x128xf32, #tpu.memory_space<vmem>>
        %dma_wait3A_370 = tpu.memref_squeeze %dma_wait3A_369 : memref<1x128x128xf32, #tpu.memory_space<vmem>> -> memref<128x128xf32, #tpu.memory_space<vmem>>
        %dma_wait3A_371 = arith.constant 0 : i32
        %dma_wait3A_372 = arith.constant 0 : i32
        %dma_wait3A_373 = tpu.memref_slice %arg4[%add3A, %dma_wait3A_366, %dma_wait3A_371, %dma_wait3A_372] : memref<32x50x128x128xf32, #tpu.memory_space<hbm>> -> memref<1x1x128x128xf32, #tpu.memory_space<hbm>>
        %dma_wait3A_374 = tpu.memref_squeeze %dma_wait3A_373 : memref<1x1x128x128xf32, #tpu.memory_space<hbm>> -> memref<128x128xf32, #tpu.memory_space<hbm>>
        %dma_wait3A_375 = arith.constant 0 : i32
        %dma_wait3A_376 = arith.constant 0 : i32
        %dma_wait3A_377 = tpu.memref_slice %arg4[%add3A, %dma_wait3A_366, %dma_wait3A_375, %dma_wait3A_376] : memref<32x50x128x128xf32, #tpu.memory_space<hbm>> -> memref<1x1x128x128xf32, #tpu.memory_space<hbm>>
        %dma_wait3A_378 = tpu.memref_squeeze %dma_wait3A_377 : memref<1x1x128x128xf32, #tpu.memory_space<hbm>> -> memref<128x128xf32, #tpu.memory_space<hbm>>
        %dma_wait3A_379 = arith.constant 0 : i32
        %dma_wait3A_380 = arith.constant 0 : i32
        %dma_wait3A_381 = tpu.memref_slice %arg6[%dma_wait3A_365, %dma_wait3A_379, %dma_wait3A_380] : memref<2x128x128xf32, #tpu.memory_space<vmem>> -> memref<1x128x128xf32, #tpu.memory_space<vmem>>
        %dma_wait3A_382 = tpu.memref_squeeze %dma_wait3A_381 : memref<1x128x128xf32, #tpu.memory_space<vmem>> -> memref<128x128xf32, #tpu.memory_space<vmem>>
        tpu.wait_dma2 semaphore(%arg11 : memref<!tpu.dma_semaphore, #tpu.memory_space<semaphore_mem>>) src(%dma_wait3A_382 : memref<128x128xf32, #tpu.memory_space<vmem>>) dst(%dma_wait3A_378 : memref<128x128xf32, #tpu.memory_space<hbm>>)
        %add3A_383 = arith.constant 2 : i32
        %add3A_384 = arith.addi %add3A_203, %add3A_383 : i32
        %dma_start3A_385 = arith.constant 0 : i32
        %dma_start3A_386 = arith.constant 0 : i32
        %dma_start3A_387 = arith.constant 0 : i32
        %dma_start3A_388 = tpu.memref_slice %arg6[%dma_start3A_385, %dma_start3A_386, %dma_start3A_387] : memref<2x128x128xf32, #tpu.memory_space<vmem>> -> memref<1x128x128xf32, #tpu.memory_space<vmem>>
        %dma_start3A_389 = tpu.memref_squeeze %dma_start3A_388 : memref<1x128x128xf32, #tpu.memory_space<vmem>> -> memref<128x128xf32, #tpu.memory_space<vmem>>
        %dma_start3A_390 = arith.constant 0 : i32
        %dma_start3A_391 = tpu.memref_slice %arg5[%add3A_384, %dma_start3A_390] : memref<50x128xi32, #tpu.memory_space<vmem>> -> memref<1x128xi32, #tpu.memory_space<vmem>>
        %dma_start3A_392 = tpu.memref_squeeze %dma_start3A_391 : memref<1x128xi32, #tpu.memory_space<vmem>> -> memref<128xi32, #tpu.memory_space<vmem>>
        %dma_start3A_393 = arith.constant 0 : i32
        %dma_start3A_394 = arith.constant 0 : i32
        %dma_start3A_395 = tpu.memref_slice %arg7[%dma_start3A_393, %dma_start3A_394] : memref<10000x128xf32, #tpu.memory_space<vmem_shared>> -> memref<10000x128xf32, #tpu.memory_space<vmem_shared>>
        tpu.enqueue_indirect_dma source(%dma_start3A_395 : memref<10000x128xf32, #tpu.memory_space<vmem_shared>>) target(%dma_start3A_389 : memref<128x128xf32, #tpu.memory_space<vmem>>) offsets(%dma_start3A_392 : memref<128xi32, #tpu.memory_space<vmem>>) semaphore(%arg9 : memref<!tpu.dma_semaphore, #tpu.memory_space<semaphore_mem>>)
      } else {
      }
      %mul3A_237 = arith.constant 2 : i32
      %mul3A_238 = arith.muli %scan3A_197, %mul3A_237 : i32
      %add3A_239 = arith.constant 2 : i32
      %add3A_240 = arith.addi %add3A_239, %mul3A_238 : i32
      %add3A_241 = arith.constant 1 : i32
      %add3A_242 = arith.addi %add3A_240, %add3A_241 : i32
      %dma_wait3A_243 = arith.constant 0 : i32
      %dma_wait3A_244 = arith.constant 1 : i32
      %dma_wait3A_245 = arith.constant 0 : i32
      %dma_wait3A_246 = arith.constant 0 : i32
      %dma_wait3A_247 = tpu.memref_slice %arg6[%dma_wait3A_244, %dma_wait3A_245, %dma_wait3A_246] : memref<2x128x128xf32, #tpu.memory_space<vmem>> -> memref<1x128x128xf32, #tpu.memory_space<vmem>>
      %dma_wait3A_248 = tpu.memref_squeeze %dma_wait3A_247 : memref<1x128x128xf32, #tpu.memory_space<vmem>> -> memref<128x128xf32, #tpu.memory_space<vmem>>
      %dma_wait3A_249 = arith.constant 0 : i32
      %dma_wait3A_250 = tpu.memref_slice %arg5[%dma_wait3A_243, %dma_wait3A_249] : memref<50x128xi32, #tpu.memory_space<vmem>> -> memref<1x128xi32, #tpu.memory_space<vmem>>
      %dma_wait3A_251 = tpu.memref_squeeze %dma_wait3A_250 : memref<1x128xi32, #tpu.memory_space<vmem>> -> memref<128xi32, #tpu.memory_space<vmem>>
      %dma_wait3A_252 = arith.constant 0 : i32
      %dma_wait3A_253 = arith.constant 0 : i32
      %dma_wait3A_254 = tpu.memref_slice %arg3[%dma_wait3A_252, %dma_wait3A_253] : memref<10000x128xf32, #tpu.memory_space<hbm>> -> memref<10000x128xf32, #tpu.memory_space<hbm>>
      tpu.wait_indirect_dma semaphore(%arg10 : memref<!tpu.dma_semaphore, #tpu.memory_space<semaphore_mem>>) src(%dma_wait3A_254 : memref<10000x128xf32, #tpu.memory_space<hbm>>) dst(%dma_wait3A_248 : memref<128x128xf32, #tpu.memory_space<vmem>>)
      %dma_start3A_255 = arith.constant 1 : i32
      %dma_start3A_256 = arith.constant 0 : i32
      %dma_start3A_257 = arith.constant 0 : i32
      %dma_start3A_258 = tpu.memref_slice %arg6[%dma_start3A_255, %dma_start3A_256, %dma_start3A_257] : memref<2x128x128xf32, #tpu.memory_space<vmem>> -> memref<1x128x128xf32, #tpu.memory_space<vmem>>
      %dma_start3A_259 = tpu.memref_squeeze %dma_start3A_258 : memref<1x128x128xf32, #tpu.memory_space<vmem>> -> memref<128x128xf32, #tpu.memory_space<vmem>>
      %dma_start3A_260 = arith.constant 0 : i32
      %dma_start3A_261 = arith.constant 0 : i32
      %dma_start3A_262 = tpu.memref_slice %arg4[%add3A, %add3A_242, %dma_start3A_260, %dma_start3A_261] : memref<32x50x128x128xf32, #tpu.memory_space<hbm>> -> memref<1x1x128x128xf32, #tpu.memory_space<hbm>>
      %dma_start3A_263 = tpu.memref_squeeze %dma_start3A_262 : memref<1x1x128x128xf32, #tpu.memory_space<hbm>> -> memref<128x128xf32, #tpu.memory_space<hbm>>
      %dma_start3A_264 = arith.constant 0 : i32
      %dma_start3A_265 = arith.constant 0 : i32
      %dma_start3A_266 = tpu.memref_slice %arg4[%add3A, %add3A_242, %dma_start3A_264, %dma_start3A_265] : memref<32x50x128x128xf32, #tpu.memory_space<hbm>> -> memref<1x1x128x128xf32, #tpu.memory_space<hbm>>
      %dma_start3A_267 = tpu.memref_squeeze %dma_start3A_266 : memref<1x1x128x128xf32, #tpu.memory_space<hbm>> -> memref<128x128xf32, #tpu.memory_space<hbm>>
      %dma_start3A_268 = arith.constant 0 : i32
      %dma_start3A_269 = arith.constant 0 : i32
      %dma_start3A_270 = tpu.memref_slice %arg6[%dma_start3A_255, %dma_start3A_268, %dma_start3A_269] : memref<2x128x128xf32, #tpu.memory_space<vmem>> -> memref<1x128x128xf32, #tpu.memory_space<vmem>>
      %dma_start3A_271 = tpu.memref_squeeze %dma_start3A_270 : memref<1x128x128xf32, #tpu.memory_space<vmem>> -> memref<128x128xf32, #tpu.memory_space<vmem>>
      tpu.enqueue_dma source(%dma_start3A_271 : memref<128x128xf32, #tpu.memory_space<vmem>>) target(%dma_start3A_267 : memref<128x128xf32, #tpu.memory_space<hbm>>) target_semaphore(%arg12 : memref<!tpu.dma_semaphore, #tpu.memory_space<semaphore_mem>>)
      %add3A_272 = arith.constant 2 : i32
      %add3A_273 = arith.addi %add3A_242, %add3A_272 : i32
      %lt3A_274 = arith.constant 50 : i32
      %lt3A_275 = arith.cmpi slt, %add3A_273, %lt3A_274 : i32
      %convert_element_type3A_276 = arith.extui %lt3A_275 : i1 to i32
      %cond3A_277 = arith.constant 0 : i32
      %cond3A_278 = arith.cmpi ne, %convert_element_type3A_276, %cond3A_277 : i32
      scf.if %cond3A_278 {
        %dma_wait3A_365 = arith.constant 1 : i32
        %dma_wait3A_366 = arith.constant 0 : i32
        %dma_wait3A_367 = arith.constant 0 : i32
        %dma_wait3A_368 = arith.constant 0 : i32
        %dma_wait3A_369 = tpu.memref_slice %arg6[%dma_wait3A_365, %dma_wait3A_367, %dma_wait3A_368] : memref<2x128x128xf32, #tpu.memory_space<vmem>> -> memref<1x128x128xf32, #tpu.memory_space<vmem>>
        %dma_wait3A_370 = tpu.memref_squeeze %dma_wait3A_369 : memref<1x128x128xf32, #tpu.memory_space<vmem>> -> memref<128x128xf32, #tpu.memory_space<vmem>>
        %dma_wait3A_371 = arith.constant 0 : i32
        %dma_wait3A_372 = arith.constant 0 : i32
        %dma_wait3A_373 = tpu.memref_slice %arg4[%add3A, %dma_wait3A_366, %dma_wait3A_371, %dma_wait3A_372] : memref<32x50x128x128xf32, #tpu.memory_space<hbm>> -> memref<1x1x128x128xf32, #tpu.memory_space<hbm>>
        %dma_wait3A_374 = tpu.memref_squeeze %dma_wait3A_373 : memref<1x1x128x128xf32, #tpu.memory_space<hbm>> -> memref<128x128xf32, #tpu.memory_space<hbm>>
        %dma_wait3A_375 = arith.constant 0 : i32
        %dma_wait3A_376 = arith.constant 0 : i32
        %dma_wait3A_377 = tpu.memref_slice %arg4[%add3A, %dma_wait3A_366, %dma_wait3A_375, %dma_wait3A_376] : memref<32x50x128x128xf32, #tpu.memory_space<hbm>> -> memref<1x1x128x128xf32, #tpu.memory_space<hbm>>
        %dma_wait3A_378 = tpu.memref_squeeze %dma_wait3A_377 : memref<1x1x128x128xf32, #tpu.memory_space<hbm>> -> memref<128x128xf32, #tpu.memory_space<hbm>>
        %dma_wait3A_379 = arith.constant 0 : i32
        %dma_wait3A_380 = arith.constant 0 : i32
        %dma_wait3A_381 = tpu.memref_slice %arg6[%dma_wait3A_365, %dma_wait3A_379, %dma_wait3A_380] : memref<2x128x128xf32, #tpu.memory_space<vmem>> -> memref<1x128x128xf32, #tpu.memory_space<vmem>>
        %dma_wait3A_382 = tpu.memref_squeeze %dma_wait3A_381 : memref<1x128x128xf32, #tpu.memory_space<vmem>> -> memref<128x128xf32, #tpu.memory_space<vmem>>
        tpu.wait_dma2 semaphore(%arg12 : memref<!tpu.dma_semaphore, #tpu.memory_space<semaphore_mem>>) src(%dma_wait3A_382 : memref<128x128xf32, #tpu.memory_space<vmem>>) dst(%dma_wait3A_378 : memref<128x128xf32, #tpu.memory_space<hbm>>)
        %add3A_383 = arith.constant 2 : i32
        %add3A_384 = arith.addi %add3A_242, %add3A_383 : i32
        %dma_start3A_385 = arith.constant 1 : i32
        %dma_start3A_386 = arith.constant 0 : i32
        %dma_start3A_387 = arith.constant 0 : i32
        %dma_start3A_388 = tpu.memref_slice %arg6[%dma_start3A_385, %dma_start3A_386, %dma_start3A_387] : memref<2x128x128xf32, #tpu.memory_space<vmem>> -> memref<1x128x128xf32, #tpu.memory_space<vmem>>
        %dma_start3A_389 = tpu.memref_squeeze %dma_start3A_388 : memref<1x128x128xf32, #tpu.memory_space<vmem>> -> memref<128x128xf32, #tpu.memory_space<vmem>>
        %dma_start3A_390 = arith.constant 0 : i32
        %dma_start3A_391 = tpu.memref_slice %arg5[%add3A_384, %dma_start3A_390] : memref<50x128xi32, #tpu.memory_space<vmem>> -> memref<1x128xi32, #tpu.memory_space<vmem>>
        %dma_start3A_392 = tpu.memref_squeeze %dma_start3A_391 : memref<1x128xi32, #tpu.memory_space<vmem>> -> memref<128xi32, #tpu.memory_space<vmem>>
        %dma_start3A_393 = arith.constant 0 : i32
        %dma_start3A_394 = arith.constant 0 : i32
        %dma_start3A_395 = tpu.memref_slice %arg7[%dma_start3A_393, %dma_start3A_394] : memref<10000x128xf32, #tpu.memory_space<vmem_shared>> -> memref<10000x128xf32, #tpu.memory_space<vmem_shared>>
        tpu.enqueue_indirect_dma source(%dma_start3A_395 : memref<10000x128xf32, #tpu.memory_space<vmem_shared>>) target(%dma_start3A_389 : memref<128x128xf32, #tpu.memory_space<vmem>>) offsets(%dma_start3A_392 : memref<128xi32, #tpu.memory_space<vmem>>) semaphore(%arg10 : memref<!tpu.dma_semaphore, #tpu.memory_space<semaphore_mem>>)
      } else {
      }
      %scan3A_279 = arith.constant 1 : i32
      %scan3A_280 = arith.addi %scan3A_197, %scan3A_279 : i32
      %mul3A_281 = arith.constant 2 : i32
      %mul3A_282 = arith.muli %scan3A_280, %mul3A_281 : i32
      %add3A_283 = arith.constant 2 : i32
      %add3A_284 = arith.addi %add3A_283, %mul3A_282 : i32
      %add3A_285 = arith.constant 0 : i32
      %add3A_286 = arith.addi %add3A_284, %add3A_285 : i32
      %dma_wait3A_287 = arith.constant 0 : i32
      %dma_wait3A_288 = arith.constant 0 : i32
      %dma_wait3A_289 = arith.constant 0 : i32
      %dma_wait3A_290 = arith.constant 0 : i32
      %dma_wait3A_291 = tpu.memref_slice %arg6[%dma_wait3A_288, %dma_wait3A_289, %dma_wait3A_290] : memref<2x128x128xf32, #tpu.memory_space<vmem>> -> memref<1x128x128xf32, #tpu.memory_space<vmem>>
      %dma_wait3A_292 = tpu.memref_squeeze %dma_wait3A_291 : memref<1x128x128xf32, #tpu.memory_space<vmem>> -> memref<128x128xf32, #tpu.memory_space<vmem>>
      %dma_wait3A_293 = arith.constant 0 : i32
      %dma_wait3A_294 = tpu.memref_slice %arg5[%dma_wait3A_287, %dma_wait3A_293] : memref<50x128xi32, #tpu.memory_space<vmem>> -> memref<1x128xi32, #tpu.memory_space<vmem>>
      %dma_wait3A_295 = tpu.memref_squeeze %dma_wait3A_294 : memref<1x128xi32, #tpu.memory_space<vmem>> -> memref<128xi32, #tpu.memory_space<vmem>>
      %dma_wait3A_296 = arith.constant 0 : i32
      %dma_wait3A_297 = arith.constant 0 : i32
      %dma_wait3A_298 = tpu.memref_slice %arg3[%dma_wait3A_296, %dma_wait3A_297] : memref<10000x128xf32, #tpu.memory_space<hbm>> -> memref<10000x128xf32, #tpu.memory_space<hbm>>
      tpu.wait_indirect_dma semaphore(%arg9 : memref<!tpu.dma_semaphore, #tpu.memory_space<semaphore_mem>>) src(%dma_wait3A_298 : memref<10000x128xf32, #tpu.memory_space<hbm>>) dst(%dma_wait3A_292 : memref<128x128xf32, #tpu.memory_space<vmem>>)
      %dma_start3A_299 = arith.constant 0 : i32
      %dma_start3A_300 = arith.constant 0 : i32
      %dma_start3A_301 = arith.constant 0 : i32
      %dma_start3A_302 = tpu.memref_slice %arg6[%dma_start3A_299, %dma_start3A_300, %dma_start3A_301] : memref<2x128x128xf32, #tpu.memory_space<vmem>> -> memref<1x128x128xf32, #tpu.memory_space<vmem>>
      %dma_start3A_303 = tpu.memref_squeeze %dma_start3A_302 : memref<1x128x128xf32, #tpu.memory_space<vmem>> -> memref<128x128xf32, #tpu.memory_space<vmem>>
      %dma_start3A_304 = arith.constant 0 : i32
      %dma_start3A_305 = arith.constant 0 : i32
      %dma_start3A_306 = tpu.memref_slice %arg4[%add3A, %add3A_286, %dma_start3A_304, %dma_start3A_305] : memref<32x50x128x128xf32, #tpu.memory_space<hbm>> -> memref<1x1x128x128xf32, #tpu.memory_space<hbm>>
      %dma_start3A_307 = tpu.memref_squeeze %dma_start3A_306 : memref<1x1x128x128xf32, #tpu.memory_space<hbm>> -> memref<128x128xf32, #tpu.memory_space<hbm>>
      %dma_start3A_308 = arith.constant 0 : i32
      %dma_start3A_309 = arith.constant 0 : i32
      %dma_start3A_310 = tpu.memref_slice %arg4[%add3A, %add3A_286, %dma_start3A_308, %dma_start3A_309] : memref<32x50x128x128xf32, #tpu.memory_space<hbm>> -> memref<1x1x128x128xf32, #tpu.memory_space<hbm>>
      %dma_start3A_311 = tpu.memref_squeeze %dma_start3A_310 : memref<1x1x128x128xf32, #tpu.memory_space<hbm>> -> memref<128x128xf32, #tpu.memory_space<hbm>>
      %dma_start3A_312 = arith.constant 0 : i32
      %dma_start3A_313 = arith.constant 0 : i32
      %dma_start3A_314 = tpu.memref_slice %arg6[%dma_start3A_299, %dma_start3A_312, %dma_start3A_313] : memref<2x128x128xf32, #tpu.memory_space<vmem>> -> memref<1x128x128xf32, #tpu.memory_space<vmem>>
      %dma_start3A_315 = tpu.memref_squeeze %dma_start3A_314 : memref<1x128x128xf32, #tpu.memory_space<vmem>> -> memref<128x128xf32, #tpu.memory_space<vmem>>
      tpu.enqueue_dma source(%dma_start3A_315 : memref<128x128xf32, #tpu.memory_space<vmem>>) target(%dma_start3A_311 : memref<128x128xf32, #tpu.memory_space<hbm>>) target_semaphore(%arg11 : memref<!tpu.dma_semaphore, #tpu.memory_space<semaphore_mem>>)
      %add3A_316 = arith.constant 2 : i32
      %add3A_317 = arith.addi %add3A_286, %add3A_316 : i32
      %lt3A_318 = arith.constant 50 : i32
      %lt3A_319 = arith.cmpi slt, %add3A_317, %lt3A_318 : i32
      %convert_element_type3A_320 = arith.extui %lt3A_319 : i1 to i32
      %cond3A_321 = arith.constant 0 : i32
      %cond3A_322 = arith.cmpi ne, %convert_element_type3A_320, %cond3A_321 : i32
      scf.if %cond3A_322 {
        %dma_wait3A_365 = arith.constant 0 : i32
        %dma_wait3A_366 = arith.constant 0 : i32
        %dma_wait3A_367 = arith.constant 0 : i32
        %dma_wait3A_368 = arith.constant 0 : i32
        %dma_wait3A_369 = tpu.memref_slice %arg6[%dma_wait3A_365, %dma_wait3A_367, %dma_wait3A_368] : memref<2x128x128xf32, #tpu.memory_space<vmem>> -> memref<1x128x128xf32, #tpu.memory_space<vmem>>
        %dma_wait3A_370 = tpu.memref_squeeze %dma_wait3A_369 : memref<1x128x128xf32, #tpu.memory_space<vmem>> -> memref<128x128xf32, #tpu.memory_space<vmem>>
        %dma_wait3A_371 = arith.constant 0 : i32
        %dma_wait3A_372 = arith.constant 0 : i32
        %dma_wait3A_373 = tpu.memref_slice %arg4[%add3A, %dma_wait3A_366, %dma_wait3A_371, %dma_wait3A_372] : memref<32x50x128x128xf32, #tpu.memory_space<hbm>> -> memref<1x1x128x128xf32, #tpu.memory_space<hbm>>
        %dma_wait3A_374 = tpu.memref_squeeze %dma_wait3A_373 : memref<1x1x128x128xf32, #tpu.memory_space<hbm>> -> memref<128x128xf32, #tpu.memory_space<hbm>>
        %dma_wait3A_375 = arith.constant 0 : i32
        %dma_wait3A_376 = arith.constant 0 : i32
        %dma_wait3A_377 = tpu.memref_slice %arg4[%add3A, %dma_wait3A_366, %dma_wait3A_375, %dma_wait3A_376] : memref<32x50x128x128xf32, #tpu.memory_space<hbm>> -> memref<1x1x128x128xf32, #tpu.memory_space<hbm>>
        %dma_wait3A_378 = tpu.memref_squeeze %dma_wait3A_377 : memref<1x1x128x128xf32, #tpu.memory_space<hbm>> -> memref<128x128xf32, #tpu.memory_space<hbm>>
        %dma_wait3A_379 = arith.constant 0 : i32
        %dma_wait3A_380 = arith.constant 0 : i32
        %dma_wait3A_381 = tpu.memref_slice %arg6[%dma_wait3A_365, %dma_wait3A_379, %dma_wait3A_380] : memref<2x128x128xf32, #tpu.memory_space<vmem>> -> memref<1x128x128xf32, #tpu.memory_space<vmem>>
        %dma_wait3A_382 = tpu.memref_squeeze %dma_wait3A_381 : memref<1x128x128xf32, #tpu.memory_space<vmem>> -> memref<128x128xf32, #tpu.memory_space<vmem>>
        tpu.wait_dma2 semaphore(%arg11 : memref<!tpu.dma_semaphore, #tpu.memory_space<semaphore_mem>>) src(%dma_wait3A_382 : memref<128x128xf32, #tpu.memory_space<vmem>>) dst(%dma_wait3A_378 : memref<128x128xf32, #tpu.memory_space<hbm>>)
        %add3A_383 = arith.constant 2 : i32
        %add3A_384 = arith.addi %add3A_286, %add3A_383 : i32
        %dma_start3A_385 = arith.constant 0 : i32
        %dma_start3A_386 = arith.constant 0 : i32
        %dma_start3A_387 = arith.constant 0 : i32
        %dma_start3A_388 = tpu.memref_slice %arg6[%dma_start3A_385, %dma_start3A_386, %dma_start3A_387] : memref<2x128x128xf32, #tpu.memory_space<vmem>> -> memref<1x128x128xf32, #tpu.memory_space<vmem>>
        %dma_start3A_389 = tpu.memref_squeeze %dma_start3A_388 : memref<1x128x128xf32, #tpu.memory_space<vmem>> -> memref<128x128xf32, #tpu.memory_space<vmem>>
        %dma_start3A_390 = arith.constant 0 : i32
        %dma_start3A_391 = tpu.memref_slice %arg5[%add3A_384, %dma_start3A_390] : memref<50x128xi32, #tpu.memory_space<vmem>> -> memref<1x128xi32, #tpu.memory_space<vmem>>
        %dma_start3A_392 = tpu.memref_squeeze %dma_start3A_391 : memref<1x128xi32, #tpu.memory_space<vmem>> -> memref<128xi32, #tpu.memory_space<vmem>>
        %dma_start3A_393 = arith.constant 0 : i32
        %dma_start3A_394 = arith.constant 0 : i32
        %dma_start3A_395 = tpu.memref_slice %arg7[%dma_start3A_393, %dma_start3A_394] : memref<10000x128xf32, #tpu.memory_space<vmem_shared>> -> memref<10000x128xf32, #tpu.memory_space<vmem_shared>>
        tpu.enqueue_indirect_dma source(%dma_start3A_395 : memref<10000x128xf32, #tpu.memory_space<vmem_shared>>) target(%dma_start3A_389 : memref<128x128xf32, #tpu.memory_space<vmem>>) offsets(%dma_start3A_392 : memref<128xi32, #tpu.memory_space<vmem>>) semaphore(%arg9 : memref<!tpu.dma_semaphore, #tpu.memory_space<semaphore_mem>>)
      } else {
      }
      %mul3A_323 = arith.constant 2 : i32
      %mul3A_324 = arith.muli %scan3A_280, %mul3A_323 : i32
      %add3A_325 = arith.constant 2 : i32
      %add3A_326 = arith.addi %add3A_325, %mul3A_324 : i32
      %add3A_327 = arith.constant 1 : i32
      %add3A_328 = arith.addi %add3A_326, %add3A_327 : i32
      %dma_wait3A_329 = arith.constant 0 : i32
      %dma_wait3A_330 = arith.constant 1 : i32
      %dma_wait3A_331 = arith.constant 0 : i32
      %dma_wait3A_332 = arith.constant 0 : i32
      %dma_wait3A_333 = tpu.memref_slice %arg6[%dma_wait3A_330, %dma_wait3A_331, %dma_wait3A_332] : memref<2x128x128xf32, #tpu.memory_space<vmem>> -> memref<1x128x128xf32, #tpu.memory_space<vmem>>
      %dma_wait3A_334 = tpu.memref_squeeze %dma_wait3A_333 : memref<1x128x128xf32, #tpu.memory_space<vmem>> -> memref<128x128xf32, #tpu.memory_space<vmem>>
      %dma_wait3A_335 = arith.constant 0 : i32
      %dma_wait3A_336 = tpu.memref_slice %arg5[%dma_wait3A_329, %dma_wait3A_335] : memref<50x128xi32, #tpu.memory_space<vmem>> -> memref<1x128xi32, #tpu.memory_space<vmem>>
      %dma_wait3A_337 = tpu.memref_squeeze %dma_wait3A_336 : memref<1x128xi32, #tpu.memory_space<vmem>> -> memref<128xi32, #tpu.memory_space<vmem>>
      %dma_wait3A_338 = arith.constant 0 : i32
      %dma_wait3A_339 = arith.constant 0 : i32
      %dma_wait3A_340 = tpu.memref_slice %arg3[%dma_wait3A_338, %dma_wait3A_339] : memref<10000x128xf32, #tpu.memory_space<hbm>> -> memref<10000x128xf32, #tpu.memory_space<hbm>>
      tpu.wait_indirect_dma semaphore(%arg10 : memref<!tpu.dma_semaphore, #tpu.memory_space<semaphore_mem>>) src(%dma_wait3A_340 : memref<10000x128xf32, #tpu.memory_space<hbm>>) dst(%dma_wait3A_334 : memref<128x128xf32, #tpu.memory_space<vmem>>)
      %dma_start3A_341 = arith.constant 1 : i32
      %dma_start3A_342 = arith.constant 0 : i32
      %dma_start3A_343 = arith.constant 0 : i32
      %dma_start3A_344 = tpu.memref_slice %arg6[%dma_start3A_341, %dma_start3A_342, %dma_start3A_343] : memref<2x128x128xf32, #tpu.memory_space<vmem>> -> memref<1x128x128xf32, #tpu.memory_space<vmem>>
      %dma_start3A_345 = tpu.memref_squeeze %dma_start3A_344 : memref<1x128x128xf32, #tpu.memory_space<vmem>> -> memref<128x128xf32, #tpu.memory_space<vmem>>
      %dma_start3A_346 = arith.constant 0 : i32
      %dma_start3A_347 = arith.constant 0 : i32
      %dma_start3A_348 = tpu.memref_slice %arg4[%add3A, %add3A_328, %dma_start3A_346, %dma_start3A_347] : memref<32x50x128x128xf32, #tpu.memory_space<hbm>> -> memref<1x1x128x128xf32, #tpu.memory_space<hbm>>
      %dma_start3A_349 = tpu.memref_squeeze %dma_start3A_348 : memref<1x1x128x128xf32, #tpu.memory_space<hbm>> -> memref<128x128xf32, #tpu.memory_space<hbm>>
      %dma_start3A_350 = arith.constant 0 : i32
      %dma_start3A_351 = arith.constant 0 : i32
      %dma_start3A_352 = tpu.memref_slice %arg4[%add3A, %add3A_328, %dma_start3A_350, %dma_start3A_351] : memref<32x50x128x128xf32, #tpu.memory_space<hbm>> -> memref<1x1x128x128xf32, #tpu.memory_space<hbm>>
      %dma_start3A_353 = tpu.memref_squeeze %dma_start3A_352 : memref<1x1x128x128xf32, #tpu.memory_space<hbm>> -> memref<128x128xf32, #tpu.memory_space<hbm>>
      %dma_start3A_354 = arith.constant 0 : i32
      %dma_start3A_355 = arith.constant 0 : i32
      %dma_start3A_356 = tpu.memref_slice %arg6[%dma_start3A_341, %dma_start3A_354, %dma_start3A_355] : memref<2x128x128xf32, #tpu.memory_space<vmem>> -> memref<1x128x128xf32, #tpu.memory_space<vmem>>
      %dma_start3A_357 = tpu.memref_squeeze %dma_start3A_356 : memref<1x128x128xf32, #tpu.memory_space<vmem>> -> memref<128x128xf32, #tpu.memory_space<vmem>>
      tpu.enqueue_dma source(%dma_start3A_357 : memref<128x128xf32, #tpu.memory_space<vmem>>) target(%dma_start3A_353 : memref<128x128xf32, #tpu.memory_space<hbm>>) target_semaphore(%arg12 : memref<!tpu.dma_semaphore, #tpu.memory_space<semaphore_mem>>)
      %add3A_358 = arith.constant 2 : i32
      %add3A_359 = arith.addi %add3A_328, %add3A_358 : i32
      %lt3A_360 = arith.constant 50 : i32
      %lt3A_361 = arith.cmpi slt, %add3A_359, %lt3A_360 : i32
      %convert_element_type3A_362 = arith.extui %lt3A_361 : i1 to i32
      %cond3A_363 = arith.constant 0 : i32
      %cond3A_364 = arith.cmpi ne, %convert_element_type3A_362, %cond3A_363 : i32
      scf.if %cond3A_364 {
        %dma_wait3A_365 = arith.constant 1 : i32
        %dma_wait3A_366 = arith.constant 0 : i32
        %dma_wait3A_367 = arith.constant 0 : i32
        %dma_wait3A_368 = arith.constant 0 : i32
        %dma_wait3A_369 = tpu.memref_slice %arg6[%dma_wait3A_365, %dma_wait3A_367, %dma_wait3A_368] : memref<2x128x128xf32, #tpu.memory_space<vmem>> -> memref<1x128x128xf32, #tpu.memory_space<vmem>>
        %dma_wait3A_370 = tpu.memref_squeeze %dma_wait3A_369 : memref<1x128x128xf32, #tpu.memory_space<vmem>> -> memref<128x128xf32, #tpu.memory_space<vmem>>
        %dma_wait3A_371 = arith.constant 0 : i32
        %dma_wait3A_372 = arith.constant 0 : i32
        %dma_wait3A_373 = tpu.memref_slice %arg4[%add3A, %dma_wait3A_366, %dma_wait3A_371, %dma_wait3A_372] : memref<32x50x128x128xf32, #tpu.memory_space<hbm>> -> memref<1x1x128x128xf32, #tpu.memory_space<hbm>>
        %dma_wait3A_374 = tpu.memref_squeeze %dma_wait3A_373 : memref<1x1x128x128xf32, #tpu.memory_space<hbm>> -> memref<128x128xf32, #tpu.memory_space<hbm>>
        %dma_wait3A_375 = arith.constant 0 : i32
        %dma_wait3A_376 = arith.constant 0 : i32
        %dma_wait3A_377 = tpu.memref_slice %arg4[%add3A, %dma_wait3A_366, %dma_wait3A_375, %dma_wait3A_376] : memref<32x50x128x128xf32, #tpu.memory_space<hbm>> -> memref<1x1x128x128xf32, #tpu.memory_space<hbm>>
        %dma_wait3A_378 = tpu.memref_squeeze %dma_wait3A_377 : memref<1x1x128x128xf32, #tpu.memory_space<hbm>> -> memref<128x128xf32, #tpu.memory_space<hbm>>
        %dma_wait3A_379 = arith.constant 0 : i32
        %dma_wait3A_380 = arith.constant 0 : i32
        %dma_wait3A_381 = tpu.memref_slice %arg6[%dma_wait3A_365, %dma_wait3A_379, %dma_wait3A_380] : memref<2x128x128xf32, #tpu.memory_space<vmem>> -> memref<1x128x128xf32, #tpu.memory_space<vmem>>
        %dma_wait3A_382 = tpu.memref_squeeze %dma_wait3A_381 : memref<1x128x128xf32, #tpu.memory_space<vmem>> -> memref<128x128xf32, #tpu.memory_space<vmem>>
        tpu.wait_dma2 semaphore(%arg12 : memref<!tpu.dma_semaphore, #tpu.memory_space<semaphore_mem>>) src(%dma_wait3A_382 : memref<128x128xf32, #tpu.memory_space<vmem>>) dst(%dma_wait3A_378 : memref<128x128xf32, #tpu.memory_space<hbm>>)
        %add3A_383 = arith.constant 2 : i32
        %add3A_384 = arith.addi %add3A_328, %add3A_383 : i32
        %dma_start3A_385 = arith.constant 1 : i32
        %dma_start3A_386 = arith.constant 0 : i32
        %dma_start3A_387 = arith.constant 0 : i32
        %dma_start3A_388 = tpu.memref_slice %arg6[%dma_start3A_385, %dma_start3A_386, %dma_start3A_387] : memref<2x128x128xf32, #tpu.memory_space<vmem>> -> memref<1x128x128xf32, #tpu.memory_space<vmem>>
        %dma_start3A_389 = tpu.memref_squeeze %dma_start3A_388 : memref<1x128x128xf32, #tpu.memory_space<vmem>> -> memref<128x128xf32, #tpu.memory_space<vmem>>
        %dma_start3A_390 = arith.constant 0 : i32
        %dma_start3A_391 = tpu.memref_slice %arg5[%add3A_384, %dma_start3A_390] : memref<50x128xi32, #tpu.memory_space<vmem>> -> memref<1x128xi32, #tpu.memory_space<vmem>>
        %dma_start3A_392 = tpu.memref_squeeze %dma_start3A_391 : memref<1x128xi32, #tpu.memory_space<vmem>> -> memref<128xi32, #tpu.memory_space<vmem>>
        %dma_start3A_393 = arith.constant 0 : i32
        %dma_start3A_394 = arith.constant 0 : i32
        %dma_start3A_395 = tpu.memref_slice %arg7[%dma_start3A_393, %dma_start3A_394] : memref<10000x128xf32, #tpu.memory_space<vmem_shared>> -> memref<10000x128xf32, #tpu.memory_space<vmem_shared>>
        tpu.enqueue_indirect_dma source(%dma_start3A_395 : memref<10000x128xf32, #tpu.memory_space<vmem_shared>>) target(%dma_start3A_389 : memref<128x128xf32, #tpu.memory_space<vmem>>) offsets(%dma_start3A_392 : memref<128xi32, #tpu.memory_space<vmem>>) semaphore(%arg10 : memref<!tpu.dma_semaphore, #tpu.memory_space<semaphore_mem>>)
      } else {
      }
    }
    %scan3A_160 = arith.constant 24 : i32
    %dma_wait3A_161 = arith.constant 0 : i32
    %dma_wait3A_162 = arith.constant 0 : i32
    %dma_wait3A_163 = arith.constant 0 : i32
    %dma_wait3A_164 = arith.constant 0 : i32
    %dma_wait3A_165 = tpu.memref_slice %arg6[%dma_wait3A_161, %dma_wait3A_163, %dma_wait3A_164] : memref<2x128x128xf32, #tpu.memory_space<vmem>> -> memref<1x128x128xf32, #tpu.memory_space<vmem>>
    %dma_wait3A_166 = tpu.memref_squeeze %dma_wait3A_165 : memref<1x128x128xf32, #tpu.memory_space<vmem>> -> memref<128x128xf32, #tpu.memory_space<vmem>>
    %dma_wait3A_167 = arith.constant 0 : i32
    %dma_wait3A_168 = arith.constant 0 : i32
    %dma_wait3A_169 = tpu.memref_slice %arg4[%add3A, %dma_wait3A_162, %dma_wait3A_167, %dma_wait3A_168] : memref<32x50x128x128xf32, #tpu.memory_space<hbm>> -> memref<1x1x128x128xf32, #tpu.memory_space<hbm>>
    %dma_wait3A_170 = tpu.memref_squeeze %dma_wait3A_169 : memref<1x1x128x128xf32, #tpu.memory_space<hbm>> -> memref<128x128xf32, #tpu.memory_space<hbm>>
    %dma_wait3A_171 = arith.constant 0 : i32
    %dma_wait3A_172 = arith.constant 0 : i32
    %dma_wait3A_173 = tpu.memref_slice %arg4[%add3A, %dma_wait3A_162, %dma_wait3A_171, %dma_wait3A_172] : memref<32x50x128x128xf32, #tpu.memory_space<hbm>> -> memref<1x1x128x128xf32, #tpu.memory_space<hbm>>
    %dma_wait3A_174 = tpu.memref_squeeze %dma_wait3A_173 : memref<1x1x128x128xf32, #tpu.memory_space<hbm>> -> memref<128x128xf32, #tpu.memory_space<hbm>>
    %dma_wait3A_175 = arith.constant 0 : i32
    %dma_wait3A_176 = arith.constant 0 : i32
    %dma_wait3A_177 = tpu.memref_slice %arg6[%dma_wait3A_161, %dma_wait3A_175, %dma_wait3A_176] : memref<2x128x128xf32, #tpu.memory_space<vmem>> -> memref<1x128x128xf32, #tpu.memory_space<vmem>>
    %dma_wait3A_178 = tpu.memref_squeeze %dma_wait3A_177 : memref<1x128x128xf32, #tpu.memory_space<vmem>> -> memref<128x128xf32, #tpu.memory_space<vmem>>
    tpu.wait_dma2 semaphore(%arg11 : memref<!tpu.dma_semaphore, #tpu.memory_space<semaphore_mem>>) src(%dma_wait3A_178 : memref<128x128xf32, #tpu.memory_space<vmem>>) dst(%dma_wait3A_174 : memref<128x128xf32, #tpu.memory_space<hbm>>)
    %dma_wait3A_179 = arith.constant 1 : i32
    %dma_wait3A_180 = arith.constant 0 : i32
    %dma_wait3A_181 = arith.constant 0 : i32
    %dma_wait3A_182 = arith.constant 0 : i32
    %dma_wait3A_183 = tpu.memref_slice %arg6[%dma_wait3A_179, %dma_wait3A_181, %dma_wait3A_182] : memref<2x128x128xf32, #tpu.memory_space<vmem>> -> memref<1x128x128xf32, #tpu.memory_space<vmem>>
    %dma_wait3A_184 = tpu.memref_squeeze %dma_wait3A_183 : memref<1x128x128xf32, #tpu.memory_space<vmem>> -> memref<128x128xf32, #tpu.memory_space<vmem>>
    %dma_wait3A_185 = arith.constant 0 : i32
    %dma_wait3A_186 = arith.constant 0 : i32
    %dma_wait3A_187 = tpu.memref_slice %arg4[%add3A, %dma_wait3A_180, %dma_wait3A_185, %dma_wait3A_186] : memref<32x50x128x128xf32, #tpu.memory_space<hbm>> -> memref<1x1x128x128xf32, #tpu.memory_space<hbm>>
    %dma_wait3A_188 = tpu.memref_squeeze %dma_wait3A_187 : memref<1x1x128x128xf32, #tpu.memory_space<hbm>> -> memref<128x128xf32, #tpu.memory_space<hbm>>
    %dma_wait3A_189 = arith.constant 0 : i32
    %dma_wait3A_190 = arith.constant 0 : i32
    %dma_wait3A_191 = tpu.memref_slice %arg4[%add3A, %dma_wait3A_180, %dma_wait3A_189, %dma_wait3A_190] : memref<32x50x128x128xf32, #tpu.memory_space<hbm>> -> memref<1x1x128x128xf32, #tpu.memory_space<hbm>>
    %dma_wait3A_192 = tpu.memref_squeeze %dma_wait3A_191 : memref<1x1x128x128xf32, #tpu.memory_space<hbm>> -> memref<128x128xf32, #tpu.memory_space<hbm>>
    %dma_wait3A_193 = arith.constant 0 : i32
    %dma_wait3A_194 = arith.constant 0 : i32
    %dma_wait3A_195 = tpu.memref_slice %arg6[%dma_wait3A_179, %dma_wait3A_193, %dma_wait3A_194] : memref<2x128x128xf32, #tpu.memory_space<vmem>> -> memref<1x128x128xf32, #tpu.memory_space<vmem>>
    %dma_wait3A_196 = tpu.memref_squeeze %dma_wait3A_195 : memref<1x128x128xf32, #tpu.memory_space<vmem>> -> memref<128x128xf32, #tpu.memory_space<vmem>>
    tpu.wait_dma2 semaphore(%arg12 : memref<!tpu.dma_semaphore, #tpu.memory_space<semaphore_mem>>) src(%dma_wait3A_196 : memref<128x128xf32, #tpu.memory_space<vmem>>) dst(%dma_wait3A_192 : memref<128x128xf32, #tpu.memory_space<hbm>>)
    return
  }
}

</mosaic_0001>

<sc_bundles>
// kernel: kernel.3.cloned.1.call-start
scs
__scs_entry_jumppad:
0x0: {  	(pc) =	sbr.rel $0x88, $3  }
0x1: {  	(tag) =	ssettag $0x0;
	lr =	simm.s32 $0x1  }
0x2: {  	[smem:$0x3F9F] =	sst lr;
	_ =	strace $0xD0000000  }
0x3: {  	_ = 	snop  }
0x4: {  	_ = 	snop  }
0x5: {  	_ = 	snop  }
0x6: {  	_ = 	snop  }
0x7: {  	_ = 	snop  }
__scs_overlays_trampoline_lowered:
0x8: {  	[smem:$0x3FAE] =	sst s0  }
0x9: {  	[smem:$0x3FAF] =	sst s1  }
0xa: {  	[smem:$0x3FB0] =	sst s2  }
0xb: {  	[smem:$0x3FB1] =	sst s3  }
0xc: {  	[smem:$0x3FB2] =	sst s4  }
0xd: {  	[smem:$0x3FB3] =	sst s5  }
0xe: {  	[smem:$0x3FB4] =	sst s6  }
0xf: {  	[smem:$0x3FB5] =	sst s7  }
0x10: {  	[smem:$0x3FB6] =	sst s8  }
0x11: {  	[smem:$0x3FB7] =	sst s9;
	s0 =	simm.s32 @!p0 $0x0  }
0x12: {  	s1 =	sld [smem:$0x3F9D];
	s0 =	simm.s32 @p0 $0x1  }
0x13: {  	[smem:$0x3FB8] =	sst s0;
	s0 =	simm.s32 @!p1 $0x0  }
0x14: {  	s2 =	sld [smem:$0x3F9C];
	s0 =	simm.s32 @p1 $0x1  }
0x15: {  	[smem:$0x3FB9] =	sst s0;
	s0 =	simm.s32 @!p2 $0x0  }
0x16: {  	s3 =	sld [smem:$0x3FDB];
	s0 =	simm.s32 @p2 $0x1  }
0x17: {  	s4 =	simm.s32 $0x1BF5;
	[smem:$0x3FBB] =	sst s0  }
0x18: {  	s0 =	sld [smem:$0x3F9E];
	_ =	swait.ge [sflag:s4], $0x0  }
0x19: {  	s7 =	sld [smem:$0x3F9F]  }
0x1a: {  	s8 =	sadd.s32 $0xFFFFE003, lr  }
0x1b: {  	s9 =	sadd.s32 $0xFFFFFEF7, lr;
	s5 =	simm.s32 $0xFFFFFFFF;
	p2 =	slt.u32 s8, $0xFFFFF086  }
0x1c: {  	p1 =	slt.u32 s9, $0xF7A;
	s5 =	simm.s32 @!p2 $0x0  }
0x1d: {  	s5 =	simm.s32 @p1 $0x1;
	p0 =	seq.s32 s7, s2  }
0x1e: {  	s7 =	smul.u32 @!p0 $0xF7A, s2;
	p2 =	seq.s32 @!p0 s5, $0x0  }
0x1f: {  	s9 =	smul.u32 $0xF7A, s1;
	s8 =	simm.s32 @!p0 $0x1BF5;
	p2 =	por !p2, p0  }
0x20: {  	[sflag:s8] =	ssyncset.s32 @!p0 $0xFFFFF086;
	s6 =	sadd.s32 @!p0 s3, s7;
	s7 =	simm.s32 @!p0 $0x108  }
0x21: {  	s3 =	sadd.s32 s3, s9;
	s6 =	sadd.s32 @!p0 $0x88, s6;
	s7 =	simm.s32 @p2 $0x1082  }
0x22: {  	[simem:s7], [sflag:s8] =	dma.local @!p0 [hbm:s6], $0xF7A  }
0x23: {  	s9 =	sor.u32 $0xD0000000, s2;
	s6 =	simm.s32 $0x108;
	_ =	swait.ge @!p0 [sflag:s8], $0x0  }
0x24: {  	s3 =	sadd.s32 $0x88, s3;
	s6 =	simm.s32 @!p1 $0x1082;
	[sflag:s4] =	ssyncset.s32 $0xFFFFF086  }
0x25: {  	[simem:s6], [sflag:s4] =	dma.local [hbm:s3], $0xF7A  }
0x26: {  	[smem:$0x3F9F] =	sst s1;
	(tag) =	ssettag s2;
	_ =	strace s9  }
0x27: {  	s1 =	sld [smem:$0x3FAF]  }
0x28: {  	s2 =	sld [smem:$0x3FB0]  }
0x29: {  	s4 =	sld [smem:$0x3FB2]  }
0x2a: {  	p0 =	seq.s32 s5, $0x0;
	s5 =	sld [smem:$0x3FB3]  }
0x2b: {  	s6 =	sld [smem:$0x3FB4]  }
0x2c: {  	s7 =	sld [smem:$0x3FB5]  }
0x2d: {  	s3 =	simm.s32 $0x108;
	s8 =	sld [smem:$0x3FB6]  }
0x2e: {  	s3 =	simm.s32 @!p0 $0x1082;
	s9 =	sld [smem:$0x3FB7]  }
0x2f: {  	lr =	sadd.s32 s0, s3;
	s0 =	sld [smem:$0x3FAE]  }
0x30: {  	s3 =	sld [smem:$0x3FB1]  }
0x31: {  	[smem:$0x3FBA] =	sst s10  }
0x32: {  	s10 =	sld [smem:$0x3FB8];
	_ =	sdelay $0x3  }
0x33: {  	p0 =	seq.s32 s10, $0x1;
	s10 =	sld [smem:$0x3FBA];
	_ =	sdelay $0x3  }
0x34: {  	[smem:$0x3FBA] =	sst s10  }
0x35: {  	s10 =	sld [smem:$0x3FB9];
	_ =	sdelay $0x3  }
0x36: {  	p1 =	seq.s32 s10, $0x1;
	s10 =	sld [smem:$0x3FBA];
	_ =	sdelay $0x3  }
0x37: {  	[smem:$0x3FBA] =	sst s10  }
0x38: {  	s10 =	sld [smem:$0x3FBB]  }
0x39: {  	_ = 	snop;
	(pc) =	sbr.ind lr, $3  }
0x3a: {  	_ = 	snop  }
0x3b: {  	_ = 	snop  }
0x3c: {  	p2 =	seq.s32 s10, $0x1;
	s10 =	sld [smem:$0x3FBA]  }
0x3d: {  	_ =	shalt  }
0x3e: {  	_ =	shalt  }
0x3f: {  	_ =	shalt  }
0x40: {  	_ =	shalt  }
0x41: {  	_ =	shalt  }
0x42: {  	_ =	shalt  }
0x43: {  	_ =	shalt  }
0x44: {  	_ =	shalt  }
0x45: {  	_ =	shalt  }
0x46: {  	_ =	shalt  }
0x47: {  	_ =	shalt  }
0x48: {  	_ =	shalt  }
0x49: {  	_ =	shalt  }
0x4a: {  	_ =	shalt  }
0x4b: {  	_ =	shalt  }
0x4c: {  	_ =	shalt  }
0x4d: {  	_ =	shalt  }
0x4e: {  	_ =	shalt  }
0x4f: {  	_ =	shalt  }
0x50: {  	_ =	shalt  }
0x51: {  	_ =	shalt  }
0x52: {  	_ =	shalt  }
0x53: {  	_ =	shalt  }
0x54: {  	_ =	shalt  }
0x55: {  	_ =	shalt  }
0x56: {  	_ =	shalt  }
0x57: {  	_ =	shalt  }
0x58: {  	_ =	shalt  }
0x59: {  	_ =	shalt  }
0x5a: {  	_ =	shalt  }
0x5b: {  	_ =	shalt  }
0x5c: {  	_ =	shalt  }
0x5d: {  	_ =	shalt  }
0x5e: {  	_ =	shalt  }
0x5f: {  	_ =	shalt  }
0x60: {  	_ =	shalt  }
0x61: {  	_ =	shalt  }
0x62: {  	_ =	shalt  }
0x63: {  	_ =	shalt  }
0x64: {  	_ =	shalt  }
0x65: {  	_ =	shalt  }
0x66: {  	_ =	shalt  }
0x67: {  	_ =	shalt  }
0x68: {  	_ =	shalt  }
0x69: {  	_ =	shalt  }
0x6a: {  	_ =	shalt  }
0x6b: {  	_ =	shalt  }
0x6c: {  	_ =	shalt  }
0x6d: {  	_ =	shalt  }
0x6e: {  	_ =	shalt  }
0x6f: {  	_ =	shalt  }
0x70: {  	_ =	shalt  }
0x71: {  	_ =	shalt  }
0x72: {  	_ =	shalt  }
0x73: {  	_ =	shalt  }
0x74: {  	_ =	shalt  }
0x75: {  	_ =	shalt  }
0x76: {  	_ =	shalt  }
0x77: {  	_ =	shalt  }
0x78: {  	_ =	shalt  }
0x79: {  	_ =	shalt  }
0x7a: {  	_ =	shalt  }
0x7b: {  	_ =	shalt  }
0x7c: {  	_ =	shalt  }
0x7d: {  	_ =	shalt  }
0x7e: {  	_ =	shalt  }
0x7f: {  	_ =	shalt  }
0x80: {  	_ =	shalt  }
0x81: {  	_ =	shalt  }
0x82: {  	_ =	shalt  }
0x83: {  	_ =	shalt  }
0x84: {  	_ =	shalt  }
0x85: {  	_ =	shalt  }
0x86: {  	_ =	shalt  }
0x87: {  	_ =	shalt  }
.Lfunc_end0:
.L_simem_size_0:
called_computation_lowered:
.L_overlay_start_0:
0x88: {  	s2 =	sld [smem:$0x3FD9]  }
0x89: {  	s3 =	sld [smem:$0x3FFE];
	_ =	sdelay $0x1  }
0x8a: {  	s1 =	srdreg.scid  }
0x8b: {  	s0 =	sand.u32 $0x1, s1  }
0x8c: {  	s17 =	sshll.u32 s0, $0xA;
	s2 =	sadd.s32 s3, s2  }
0x8d: {  	s2 =	sadd.s32 s2, s17  }
0x8e: {  	[smem:$0x3FC6] =	sst s2  }
0x8f: {  	_ = 	snop  }
0x90: {  	s2 =	sld [smem:$0x3FC8]  }
0x91: {  	s18 =	sld [smem:$0x3FD0];
	(tm) =	ssettm $0x1  }
0x92: {  	s4 =	sld [smem:$0x3FFB];
	_ =	sdelay $0x3  }
0x93: {  	_ =	strace s4  }
0x94: {  	s4 =	sld [smem:$0x3FFC];
	_ =	sdelay $0x3  }
0x95: {  	_ =	strace s4  }
0x96: {  	s4 =	sld [smem:$0x3FFD];
	_ =	sdelay $0x3  }
0x97: {  	_ =	strace s4  }
0x98: {  	_ =	strace $0x8FFFFFFF  }
0x99: {  	s19 =	sld [smem:$0x3FDB];
	_ =	sdelay $0x1  }
0x9a: {  	s5 =	simm.s32 $_scs_section_size  }
0x9b: {  	s6 =	simm.s32 $_size__tile_overlayer_lowered;
	s7 =	simm.s32 $_tile_overlayer_lowered  }
0x9c: {  	s22 =	simm.s32 $0x1BFF;
	s21 =	sshll.u32 s7, $0x1;
	s4 =	sadd.s32 s5, s19  }
0x9d: {  	s8 =	simm.s32 $0x0;
	s20 =	sshll.u32 s6, $0x1;
	s6 =	sadd.s32 s21, s4  }
0x9e: {  	[timem:s8], [sflag:s22] =	dma.local [hbm:s6], s20  }
0x9f: {  	_ =	swait.ge [sflag:s22], s20  }
0xa0: {  	s5 =	ssub.s32 $0x0, s20;
	[sflag:s22] =	ssyncset.done $0x0  }
0xa1: {  	[sflag:s22] =	ssyncadd.s32 s5;
	_ =	sdelay $0x1  }
0xa2: {  	s23 =	simm.s32 $0x1B8B  }
0xa3: {  	_ =	swait.ge [sflag:s23], $0x1  }
0xa4: {  	[sflag:s23] =	ssyncset.done $0x0  }
0xa5: {  	s25 =	simm.s32 $0x1B8E;
	s24 =	sld [smem:$0x3FFE];
	[sflag:s23] =	ssyncadd.s32 $0xFFFFFFFF  }
0xa6: {  	s26 =	simm.s32 $execute0_lowered;
	[smem:$0x3FD2] =	sst s25  }
0xa7: {  	s6 =	sshll.u32 s26, $0x1;
	_ =	strace $0x80000046;
	[dreg:$0x1] =	wrdreg $0xFFFFFFFF  }
0xa8: {  	s28 =	simm.s32 $_size_execute0_lowered;
	s4 =	sadd.s32 s4, s6;
	[dreg:$0x0] =	wrdreg $0x0  }
0xa9: {  	s6 =	sshll.u32 s28, $0x1;
	[dreg:$0x2] =	wrdreg s4  }
0xaa: {  	[dreg:$0x3] =	wrdreg s6  }
0xab: {  	[dreg:$0x4] =	wrdreg $0xC0  }
0xac: {  	_ =	task [dreg:s8], $0x5FFFF  }
0xad: {  	[dreg:$0x1] =	wrdreg $0xFFFFFFFF  }
0xae: {  	[dreg:$0x0] =	wrdreg $0x60  }
0xaf: {  	[dreg:$0x2] =	wrdreg s24  }
0xb0: {  	[dreg:$0x3] =	wrdreg s2  }
0xb1: {  	[dreg:$0x4] =	wrdreg s18  }
0xb2: {  	[dreg:$0x5] =	wrdreg $0x9C000  }
0xb3: {  	[dreg:$0x6] =	wrdreg $0x9  }
0xb4: {  	_ =	task.clear_ibuf [dreg:s8], $0x7FFFF;
	_ =	strace $0x90000046  }
0xb5: {  	s29 =	simm.s32 $0x9;
	_ =	strace $0x80000048  }
0xb6: {  	_ =	swait.ge [sflag:s29], $0x1  }
0xb7: {  	[sflag:s29] =	ssyncadd.s32 $0xFFFFFFFF  }
0xb8: {  	_ =	strace $0x90000048  }
0xb9: {  	_ =	sfence  }
0xba: {  	s30 =	sld [smem:$0x0];
	_ =	sdelay $0x2  }
0xbb: {  	s31 =	sshll.u32 s1, $0xD;
	s1 =	sshrl.u32 s1, $0x2  }
0xbc: {  	s3 =	sand.u32 $0x4000, s31;
	s1 =	sadd.s32 s1, s30  }
0xbd: {  	s0 =	sor.u32 s3, s0;
	s1 =	sshll.u32 s1, $0x11  }
0xbe: {  	s0 =	sor.u32 s1, s0  }
0xbf: {  	s0 =	sadd.s32 $0x8F2B, s0  }
0xc0: {  	[sflag:s0] =	ssyncadd.remote.s32 $0x1  }
0xc1: {  	_ =	sfence.sel $0xFFFF  }
0xc2: {  	[dreg:$0x0] =	wrdreg $0xFFFFFFFF;
	(pc) =	sbr.abs _section_cstart, $3  }
0xc3: {  	[dreg:$0x1] =	wrdreg $0xFFFFFFFF  }
0xc4: {  	_ =	task.clear_ibuf [dreg:s8], $0x2FFFF;
	_ =	strace $0x9FFFFFFF  }
0xc5: {  	(tm) =	ssettm $0x7FFFFFFF  }
tec
execute0_lowered:
.L_overlay_start_1:
0x0: {  	(tag) =	ssettag $0x1  }
0x1: {  	s0 =	rddreg [dreg:$0x0]  }
0x2: {  	s12 =	rddreg [dreg:$0x1]  }
0x3: {  	s3 =	rddreg [dreg:$0x2]  }
0x4: {  	s2 =	srdreg.scid;
	s1 =	stileid.u32  }
0x5: {  	s4 =	rddreg [dreg:$0x3];
	s5 =	simm.s32 $0x0;
	s17 =	simm.s32 $0x6  }
0x6: {  	s18 =	simm.s32 $0x80;
	s19 =	simm.s32 $0x1C00;
	s20 =	simm.s32 $0x5C00  }
0x7: {  	s29 =	simm.s32 $0x0;
	s2 =	sand.u32 $0x1, s2;
	s9 =	smul.u32 $0x278, s1  }
0x8: {  	s6 =	sshll.u32 s1, $0x1;
	[smem:$0x7FF] =	sst s5;
	s23 =	smul.u32 $0x190000, s1  }
0x9: {  	s6 =	sor.u32 s2, s6;
	s8 =	ssub.s32 $0x2, s2;
	s2 =	smul.u32 $0xC8000, s2  }
0xa: {  	s25 =	sshll.u32 s1, $0x6;
	_ =	strace $0x80000047;
	s7 =	smul.u32 $0x380, s6  }
0xb: {  	s21 =	sshrl.u32 s8, $0x1;
	s10 =	smul.u32 $0xC8000, s6;
	s22 =	smin.u32 s9, $0x2498  }
0xc: {  	s11 =	ssub.s32 s8, s21;
	s24 =	sshll.u32 s22, $0x7;
	s6 =	sshll.u32 s22, $0x4  }
0xd: {  	s2 =	sadd.s32 s2, s23;
	s21 =	simm.s32 $0x1;
	s22 =	simm.s32 $0x2  }
0xe: {  	s23 =	simm.s32 $0x4;
	s0 =	sadd.s32 s7, s0;
	s13 =	sadd.s32 s24, s4  }
0xf: {  	s6 =	sadd.s32 s12, s6;
	s7 =	sor.u32 $0x1C01, s25;
	s26 =	sshrl.u32 s10, $0x3  }
0x10: {  	s28 =	sadd.s32 $0x14000, s2;
	s11 =	smax.u32 s11, $0x1;
	s30 =	sadd.s32 $0xC000, s2  }
.Ltmp0:
0x11: {  	s14 =	sadd.s32 $0x8000, s2;
	s24 =	sadd.s32 $0x10000, s2;
	(pc) =	sbr.rel .LBB2_1-.Ltmp0, $4  }
0x12: {  	s25 =	simm.s32 $0x3;
	s8 =	sadd.s32 $0x400, s0;
	s9 =	sadd.s32 s3, s26  }
0x13: {  	s0 =	sshrl.u32 s28, $0x3;
	s31 =	sshrl.u32 s14, $0x3;
	s16 =	sshrl.u32 s13, $0x3  }
0x14: {  	s26 =	simm.s32 $0x5;
	s12 =	sadd.s32 s0, s3;
	s0 =	sshrl.u32 s30, $0x3  }
0x15: {  	s10 =	sadd.s32 $0x800, s9;
	s2 =	sadd.s32 s31, s3;
	s0 =	sadd.s32 s0, s3  }
.LBB2_4:
0x16: {  	_ =	swait.ge [sflag:s25], $0x4000  }
0x17: {  	[sflag:s25] =	ssyncset.done $0x0  }
0x18: {  	s29 =	sadd.s32 $0x1, s29;
	[sflag:s25] =	ssyncadd.s32 $0xFFFFC000  }
0x19: {  	[hbm4b:s30+s5] =	stream.linear.scatter [tilespmem:s20], [sflag:$0x5], $0x4000, $0x38;
	[tilespmem:$0x1D480] =	vst v63  }
0x1a: {  	p0 =	sne.s32 s29, s11;
	_ =	swait.ge [sflag:s23], $0x4000  }
.Ltmp1:
0x1b: {  	[sflag:s23] =	ssyncset.done $0x0;
	(pc) =	sbr.rel @!p0 .LBB2_5-.Ltmp1, $4  }
0x1c: {  	[sflag:s23] =	ssyncadd.s32 $0xFFFFC000  }
0x1d: {  	_ =	swait.ge [sflag:s26], $0x4000  }
0x1e: {  	[sflag:s26] =	ssyncset.done $0x0  }
0x1f: {  	[sflag:s26] =	ssyncadd.s32 $0xFFFFC000  }
.LBB2_1:
0x20: {  	[spmem:s16], [sflag:s7] =	dma.local [hbm:s6], $0x2780  }
0x21: {  	[tilespmem:s5], [sflag:$0x6] =	stream.linear.gather [hbm4b:s8+s5], $0x1900, $0x38;
	[tilespmem:$0x1D480] =	vst v63  }
0x22: {  	_ =	swait.ge [sflag:s17], $0x1900  }
0x23: {  	[sflag:s17] =	ssyncset.done $0x0  }
0x24: {  	[sflag:s17] =	ssyncadd.s32 $0xFFFFE700  }
0x25: {  	s1 =	rddreg [dreg:$0x1]  }
0x26: {  	[tilespmem:s19], [sflag:$0x2] =	stream.indirect.gather [hbm4b:s1+s18], $0x80, s5, s18, $0xb8;
	[tilespmem:$0x1D480] =	vst v63  }
0x27: {  	_ = 	snop  }
0x28: {  	[tilespmem:s20], [sflag:$0x3] =	stream.indirect.gather [hbm4b:s1+s18], $0x80, s18, s18, $0xb8;
	[tilespmem:$0x1D480] =	vst v63  }
0x29: {  	_ =	swait.ge [sflag:s21], $0x2780  }
0x2a: {  	[sflag:s21] =	ssyncset.done $0x0  }
0x2b: {  	[sflag:s21] =	ssyncadd.s32 $0xFFFFD880  }
0x2c: {  	[bflag:$0x0] =	sbarrier.arrive $0xFFFF  }
0x2d: {  	_ =	swait.ge [sflag:s22], $0x4000  }
0x2e: {  	[sflag:s22] =	ssyncset.done $0x0  }
0x2f: {  	[sflag:s22] =	ssyncadd.s32 $0xFFFFC000  }
0x30: {  	[hbm4b:s9+s5] =	stream.linear.scatter [tilespmem:s19], [sflag:$0x4], $0x4000, $0x38;
	[tilespmem:$0x1D480] =	vst v63  }
0x31: {  	_ =	swait.ge [sflag:s23], $0x4000  }
0x32: {  	[sflag:s23] =	ssyncset.done $0x0  }
0x33: {  	s14 =	simm.s32 $0x100;
	[sflag:s23] =	ssyncadd.s32 $0xFFFFC000  }
0x34: {  	[tilespmem:s19], [sflag:$0x2] =	stream.indirect.gather [spmem:s4], $0x80, s14, s18, $0xb8;
	[tilespmem:$0x1D480] =	vst v63  }
0x35: {  	_ =	swait.ge [sflag:s25], $0x4000  }
0x36: {  	[sflag:s25] =	ssyncset.done $0x0  }
0x37: {  	[sflag:s25] =	ssyncadd.s32 $0xFFFFC000  }
0x38: {  	[hbm4b:s10+s5] =	stream.linear.scatter [tilespmem:s20], [sflag:$0x5], $0x4000, $0x38;
	[tilespmem:$0x1D480] =	vst v63  }
0x39: {  	_ =	swait.ge [sflag:s26], $0x4000  }
0x3a: {  	s15 =	simm.s32 $0x180;
	s31 =	simm.s32 $0x380;
	[sflag:s26] =	ssyncset.done $0x0  }
0x3b: {  	s13 =	smov.u32 s24;
	s30 =	smov.u32 s12;
	[sflag:s26] =	ssyncadd.s32 $0xFFFFC000  }
0x3c: {  	[tilespmem:s20], [sflag:$0x3] =	stream.indirect.gather [spmem:s4], $0x80, s15, s18, $0xb8;
	[tilespmem:$0x1D480] =	vst v63  }
0x3d: {  	s28 =	simm.s32 $0x0;
	s14 =	smov.u32 s0;
	s15 =	smov.u32 s2  }
.LBB2_2:
0x3e: {  	_ =	swait.ge [sflag:s22], $0x4000  }
0x3f: {  	[sflag:s22] =	ssyncset.done $0x0  }
0x40: {  	[sflag:s22] =	ssyncadd.s32 $0xFFFFC000  }
0x41: {  	[hbm4b:s15+s5] =	stream.linear.scatter [tilespmem:s19], [sflag:$0x4], $0x4000, $0x38;
	[tilespmem:$0x1D480] =	vst v63  }
0x42: {  	_ =	swait.ge [sflag:s23], $0x4000  }
0x43: {  	[sflag:s23] =	ssyncset.done $0x0  }
0x44: {  	s1 =	sadd.s32 $0xFFFFFE80, s31;
	[sflag:s23] =	ssyncadd.s32 $0xFFFFC000  }
0x45: {  	[tilespmem:s19], [sflag:$0x2] =	stream.indirect.gather [spmem:s4], $0x80, s1, s18, $0xb8;
	[tilespmem:$0x1D480] =	vst v63  }
0x46: {  	_ =	swait.ge [sflag:s25], $0x4000  }
0x47: {  	[sflag:s25] =	ssyncset.done $0x0  }
0x48: {  	[sflag:s25] =	ssyncadd.s32 $0xFFFFC000  }
0x49: {  	[hbm4b:s14+s5] =	stream.linear.scatter [tilespmem:s20], [sflag:$0x5], $0x4000, $0x38;
	[tilespmem:$0x1D480] =	vst v63  }
0x4a: {  	_ =	swait.ge [sflag:s26], $0x4000  }
0x4b: {  	[sflag:s26] =	ssyncset.done $0x0  }
0x4c: {  	p0 =	sgt.u32 s28, $0x15;
	s1 =	sadd.s32 $0xFFFFFF00, s31;
	[sflag:s26] =	ssyncadd.s32 $0xFFFFC000  }
0x4d: {  	[tilespmem:s20], [sflag:$0x3] =	stream.indirect.gather [spmem:s4], $0x80, s1, s18, $0xb8;
	[tilespmem:$0x1D480] =	vst v63  }
.Ltmp2:
0x4e: {  	_ = 	snop;
	(pc) =	sbr.rel @p0 .LBB2_4-.Ltmp2, $4  }
0x4f: {  	_ =	swait.ge [sflag:s22], $0x4000  }
0x50: {  	s1 =	sshrl.u32 s13, $0x3;
	[sflag:s22] =	ssyncset.done $0x0  }
0x51: {  	s1 =	sadd.s32 s3, s1;
	[sflag:s22] =	ssyncadd.s32 $0xFFFFC000  }
0x52: {  	[hbm4b:s1+s5] =	stream.linear.scatter [tilespmem:s19], [sflag:$0x4], $0x4000, $0x38;
	[tilespmem:$0x1D480] =	vst v63  }
0x53: {  	_ =	swait.ge [sflag:s23], $0x4000  }
0x54: {  	[sflag:s23] =	ssyncset.done $0x0  }
0x55: {  	s1 =	sadd.s32 $0xFFFFFF80, s31;
	[sflag:s23] =	ssyncadd.s32 $0xFFFFC000  }
0x56: {  	[tilespmem:s19], [sflag:$0x2] =	stream.indirect.gather [spmem:s4], $0x80, s1, s18, $0xb8;
	[tilespmem:$0x1D480] =	vst v63  }
0x57: {  	_ =	swait.ge [sflag:s25], $0x4000  }
0x58: {  	[sflag:s25] =	ssyncset.done $0x0  }
0x59: {  	[sflag:s25] =	ssyncadd.s32 $0xFFFFC000  }
0x5a: {  	[hbm4b:s30+s5] =	stream.linear.scatter [tilespmem:s20], [sflag:$0x5], $0x4000, $0x38;
	[tilespmem:$0x1D480] =	vst v63  }
.Ltmp3:
0x5b: {  	_ =	swait.ge [sflag:s26], $0x4000;
	(pc) =	sbr.rel .LBB2_2-.Ltmp3, $4  }
0x5c: {  	s28 =	sadd.s32 $0x2, s28;
	[sflag:s26] =	ssyncset.done $0x0  }
0x5d: {  	s13 =	sadd.s32 $0x10000, s13;
	s14 =	sadd.s32 $0x2000, s14;
	[sflag:s26] =	ssyncadd.s32 $0xFFFFC000  }
0x5e: {  	[tilespmem:s20], [sflag:$0x3] =	stream.indirect.gather [spmem:s4], $0x80, s31, s18, $0xb8;
	[tilespmem:$0x1D480] =	vst v63  }
0x5f: {  	s15 =	sadd.s32 $0x2000, s15;
	s30 =	sadd.s32 $0x2000, s30;
	s31 =	sadd.s32 $0x200, s31  }
.LBB2_5:
0x60: {  	_ =	sfence.sel $0x180000  }
0x61: {  	[bflag:$0x0] =	sbarrier.arrive $0xFFFF  }
0x62: {  	_ =	strace $0x90000047  }
0x63: {  	s0 =	stileid.u32;
	[bflag:$0x2] =	sbarrier.arrive $0xFFFF  }
0x64: {  	p0 =	sne.s32 s0, $0x0;
	s0 =	rddreg [dreg:$0x4]  }
0x65: {  	s0 =	sadd.s32 @!p0 $0x100000, s0  }
0x66: {  	[sflag:s0] =	ssyncadd.tile.s32 @!p0 $0x1;
	_ =	shalt  }
.Lfunc_end2:
_tile_overlayer_lowered:
.L_overlay_start_2:
0x67: {  	(tag) =	ssettag $0x2  }
0x68: {  	s0 =	rddreg [dreg:$0x0];
	s2 =	stileid.u32  }
0x69: {  	s1 =	rddreg [dreg:$0x1];
	p0 =	sne.s32 s2, $0x0  }
0x6a: {  	s3 =	rddreg [dreg:$0x2];
	[bflag:$0x3] =	sbarrier.arrive $0xFFFF;
	s2 =	simm.s32 @!p0 $0x1C06  }
0x6b: {  	[timem:s3], [sflag:s2] =	dma.local @!p0 [hbm:s0], s1  }
0x6c: {  	s0 =	simm.s32 @!p0 $0x6  }
0x6d: {  	_ =	swait.ge @!p0 [sflag:s0], s1  }
0x6e: {  	s1 =	ssub.s32 @!p0 $0x0, s1;
	[sflag:s0] =	ssyncset.done @!p0 $0x0  }
0x6f: {  	[sflag:s0] =	ssyncadd.s32 @!p0 s1  }
0x70: {  	[bflag:$0x3] =	sbarrier.arrive $0xFFFF  }
0x71: {  	_ =	shalt  }

</sc_bundles>
